<compile_context>
chip_gen: v7x
topology: tpu7x:2x2x1
jax: 0.10.2.dev20260603
libtpu: 0.0.44.dev20260713+nightly
codegen_flags: <defaults>
</compile_context>

<pallas_src>
import jax
import jax.numpy as jnp
from jax.experimental import pallas as pl
from jax.experimental.pallas import tpu as pltpu
from jax.experimental.pallas import tpu_sc as plsc

F32 = jnp.float32
BF16 = jnp.bfloat16


def _sc_gather(table, idx2d):
    n, c = table.shape
    e = idx2d.shape[1]
    w = 128
    assert e % w == 0
    mesh = plsc.VectorSubcoreMesh(core_axis_name="c", subcore_axis_name="s")

    @pl.kernel(out_type=jax.ShapeDtypeStruct((e, c), table.dtype), mesh=mesh)
    def gk(x_hbm, i_hbm, o_hbm):
        def body(i_vmem, o_vmem):
            pltpu.sync_copy(x_hbm.at[i_vmem.at[0]], o_vmem)

        pltpu.emit_pipeline(
            body,
            grid=(e // w,),
            in_specs=[pl.BlockSpec((1, w), lambda i: (0, i))],
            out_specs=[pl.BlockSpec((w, c), lambda i: (i, 0))],
            core_axis_name=("c", "s"),
            dimension_semantics=(pltpu.PARALLEL,),
        )(i_hbm, o_hbm)

    return gk(table, idx2d)


def _colsum(y):
    ones = jnp.full((8, y.shape[0]), 1.0, dtype=F32)
    return jax.lax.dot_general(ones, y, (((1,), (0,)), ((), ())),
                               preferred_element_type=F32)


def _pass1a(PWe, EB, interpret=False):
    E, CW = PWe.shape

    def body(pw_ref, s_ref, mu_ref):
        i = pl.program_id(0)
        x = pw_ref[...]
        s = jax.lax.dot_general(x, x, (((0,), (0,)), ((), ())),
                                preferred_element_type=F32)

        @pl.when(i == 0)
        def _():
            s_ref[...] = jnp.zeros_like(s_ref)
            mu_ref[...] = jnp.zeros_like(mu_ref)

        s_ref[...] += s
        mu_ref[...] += _colsum(x)

    return pl.pallas_call(
        body,
        grid=(E // EB,),
        in_specs=[
            pl.BlockSpec((EB, CW), lambda i: (i, 0)),
        ],
        out_specs=[
            pl.BlockSpec((CW, CW), lambda i: (0, 0)),
            pl.BlockSpec((8, CW), lambda i: (0, 0)),
        ],
        out_shape=[
            jax.ShapeDtypeStruct((CW, CW), F32),
            jax.ShapeDtypeStruct((8, CW), F32),
        ],
        interpret=interpret,
    )(PWe)


def _pass1b(F, nknn, REP1T, T1, interpret=False):
    N, NIN = F.shape
    E = nknn.shape[0]
    K = E // N
    E1 = T1 * K
    _DN_RR = (((0,), (0,)), ((), ()))

    def body(f_ref, nk_ref, rt_ref, sss_ref, ssk_ref, skk_ref,
             muf_ref, muk_ref):
        i = pl.program_id(0)
        f = f_ref[...]
        nk = nk_ref[...]
        g = jnp.dot(rt_ref[...], nk, preferred_element_type=F32)
        s_ss = jax.lax.dot_general(f, f, _DN_RR, preferred_element_type=F32)
        s_sk = jax.lax.dot_general(f, g, _DN_RR, preferred_element_type=F32)
        s_kk = jax.lax.dot_general(nk, nk, _DN_RR, preferred_element_type=F32)

        @pl.when(i == 0)
        def _():
            sss_ref[...] = jnp.zeros_like(sss_ref)
            ssk_ref[...] = jnp.zeros_like(ssk_ref)
            skk_ref[...] = jnp.zeros_like(skk_ref)
            muf_ref[...] = jnp.zeros_like(muf_ref)
            muk_ref[...] = jnp.zeros_like(muk_ref)

        sss_ref[...] += s_ss
        ssk_ref[...] += s_sk
        skk_ref[...] += s_kk
        muf_ref[...] += _colsum(f)
        muk_ref[...] += _colsum(nk)

    cc = lambda shp: pl.BlockSpec(shp, lambda i: (0, 0))
    return pl.pallas_call(
        body,
        grid=(N // T1,),
        in_specs=[
            pl.BlockSpec((T1, NIN), lambda i: (i, 0)),
            pl.BlockSpec((E1, NIN), lambda i: (i, 0)),
            pl.BlockSpec(REP1T.shape, lambda i: (0, 0)),
        ],
        out_specs=[cc((NIN, NIN)), cc((NIN, NIN)), cc((NIN, NIN)),
                   cc((8, NIN)), cc((8, NIN))],
        out_shape=[
            jax.ShapeDtypeStruct((NIN, NIN), F32),
            jax.ShapeDtypeStruct((NIN, NIN), F32),
            jax.ShapeDtypeStruct((NIN, NIN), F32),
            jax.ShapeDtypeStruct((8, NIN), F32),
            jax.ShapeDtypeStruct((8, NIN), F32),
        ],
        interpret=interpret,
    )(F, nknn, REP1T)


def _pass2(F, nknn, PWe, ETe, ws1f, wk1f, b1n, wpw1f, b1p,
           w2n, b2n, w2p, b2p, w2q, b2q, m1, n2, b2d, v2, b2w,
           wf, flt2, nflt, bias, T2, interpret=False):
    N, NIN = F.shape
    E = nknn.shape[0]
    K = E // N
    E2 = T2 * K
    CMIX = m1.shape[1]
    CO = n2.shape[1]
    CN = ws1f.shape[1]
    CP = wpw1f.shape[1]
    CWD = w2n.shape[0]
    CPU = w2p.shape[0]
    CW = PWe.shape[1]
    NET = ETe.shape[1]

    def body(f_ref, nk_ref, pw_ref, et_ref,
             ws_ref, wk_ref, b1n_ref, wp_ref, b1p_ref,
             w2n_ref, b2n_ref, w2p_ref, b2p_ref, w2q_ref, b2q_ref,
             m1_ref, n2_ref, b2d_ref, v2_ref, b2w_ref,
             wf_ref, flt2_ref, nflt_ref, bias_ref,
             ymix_ref, op_ref, smx_ref, ssmx_ref, sot_ref, ssot_ref):
        i = pl.program_id(0)
        hs = jnp.dot(f_ref[...], ws_ref[...], preferred_element_type=F32)
        hk = jnp.dot(nk_ref[...], wk_ref[...], preferred_element_type=F32)
        h = ((hk.reshape(T2, K, CN) + hs[:, None, :]).reshape(E2, CN)
             + b1n_ref[...])
        h = jnp.maximum(h, 0.0)
        p = jnp.dot(pw_ref[...], wp_ref[...], preferred_element_type=F32) + b1p_ref[...]
        p = jnp.maximum(p, 0.0)
        nfeat_dy = jnp.dot(h[:, :CWD], w2n_ref[...], preferred_element_type=F32) + b2n_ref[...]
        w_og = jnp.dot(p[:, :CPU], w2p_ref[...], preferred_element_type=F32) + b2p_ref[...]
        w_plus = jnp.dot(p[:, CPU:2 * CPU], w2q_ref[...], preferred_element_type=F32) + b2q_ref[...]
        mix = w_og + nfeat_dy * w_plus
        ymix = jnp.dot(mix, m1_ref[...], preferred_element_type=F32)
        ymix_ref[...] = ymix.astype(BF16)
        pn = jnp.dot(h[:, CWD:], n2_ref[...], preferred_element_type=F32) + b2d_ref[...]
        pwo = jnp.dot(p[:, 2 * CPU:], v2_ref[...], preferred_element_type=F32) + b2w_ref[...]
        med = jnp.dot(pwo, wf_ref[...], preferred_element_type=F32)
        pn = pn * med
        ef = jnp.dot(pn, flt2_ref[...], preferred_element_type=F32)
        nf = jnp.dot(f_ref[...], nflt_ref[...], preferred_element_type=F32)
        CF = 4 * CO
        smd = (ef.reshape(T2, K, CF) + nf[:, None, :]).reshape(E2, CF)
        et = et_ref[...]
        edge = (smd[:, 0:CO] * et[:, 0:1]
                + smd[:, CO:2 * CO] * et[:, 1:2]
                + smd[:, 2 * CO:3 * CO] * et[:, 2:3]
                + smd[:, 3 * CO:4 * CO] * et[:, 3:4])
        om = jnp.max(edge.reshape(T2, K, CO), axis=1) + bias_ref[...]
        op_ref[...] = om

        @pl.when(i == 0)
        def _():
            smx_ref[...] = jnp.zeros_like(smx_ref)
            ssmx_ref[...] = jnp.zeros_like(ssmx_ref)
            sot_ref[...] = jnp.zeros_like(sot_ref)
            ssot_ref[...] = jnp.zeros_like(ssot_ref)

        smx_ref[...] += _colsum(ymix)
        ssmx_ref[...] += _colsum(ymix * ymix)
        sot_ref[...] += _colsum(om)
        ssot_ref[...] += _colsum(om * om)

    const = lambda a: pl.BlockSpec(a.shape, lambda i: tuple(0 for _ in a.shape))
    return pl.pallas_call(
        body,
        grid=(N // T2,),
        in_specs=[
            pl.BlockSpec((T2, NIN), lambda i: (i, 0)),
            pl.BlockSpec((E2, NIN), lambda i: (i, 0)),
            pl.BlockSpec((E2, CW), lambda i: (i, 0)),
            pl.BlockSpec((E2, NET), lambda i: (i, 0)),
            const(ws1f), const(wk1f), const(b1n), const(wpw1f), const(b1p),
            const(w2n), const(b2n), const(w2p), const(b2p), const(w2q), const(b2q),
            const(m1), const(n2), const(b2d), const(v2), const(b2w),
            const(wf), const(flt2), const(nflt), const(bias),
        ],
        out_specs=[
            pl.BlockSpec((E2, CMIX), lambda i: (i, 0)),
            pl.BlockSpec((T2, CO), lambda i: (i, 0)),
            pl.BlockSpec((8, CMIX), lambda i: (0, 0)),
            pl.BlockSpec((8, CMIX), lambda i: (0, 0)),
            pl.BlockSpec((8, CO), lambda i: (0, 0)),
            pl.BlockSpec((8, CO), lambda i: (0, 0)),
        ],
        out_shape=[
            jax.ShapeDtypeStruct((E, CMIX), BF16),
            jax.ShapeDtypeStruct((N, CO), F32),
            jax.ShapeDtypeStruct((8, CMIX), F32),
            jax.ShapeDtypeStruct((8, CMIX), F32),
            jax.ShapeDtypeStruct((8, CO), F32),
            jax.ShapeDtypeStruct((8, CO), F32),
        ],
        interpret=interpret,
    )(F, nknn, PWe, ETe, ws1f, wk1f, b1n, wpw1f, b1p,
      w2n, b2n, w2p, b2p, w2q, b2q, m1, n2, b2d, v2, b2w,
      wf, flt2, nflt, bias)


def _pass3(ymix, outpre, ms, mt, w2m, b2m, osc, osh, T3, interpret=False):
    E, CMIX = ymix.shape
    N, CO = outpre.shape
    K = E // N
    E3 = T3 * K

    def body(ym_ref, op_ref, ms_ref, mt_ref, w2m_ref, b2m_ref,
             os_ref, ot_ref, fw_ref, out_ref):
        z = jnp.maximum(ym_ref[...].astype(F32) * ms_ref[...] + mt_ref[...], 0.0)
        fw_ref[...] = jnp.dot(z, w2m_ref[...], preferred_element_type=F32) + b2m_ref[...]
        out_ref[...] = jnp.maximum(op_ref[...] * os_ref[...] + ot_ref[...], 0.0)

    const = lambda a: pl.BlockSpec(a.shape, lambda i: tuple(0 for _ in a.shape))
    return pl.pallas_call(
        body,
        grid=(N // T3,),
        in_specs=[
            pl.BlockSpec((E3, CMIX), lambda i: (i, 0)),
            pl.BlockSpec((T3, CO), lambda i: (i, 0)),
            const(ms), const(mt), const(w2m), const(b2m), const(osc), const(osh),
        ],
        out_specs=[
            pl.BlockSpec((E3, w2m.shape[1]), lambda i: (i, 0)),
            pl.BlockSpec((T3, CO), lambda i: (i, 0)),
        ],
        out_shape=[
            jax.ShapeDtypeStruct((E, w2m.shape[1]), F32),
            jax.ShapeDtypeStruct((N, CO), F32),
        ],
        interpret=interpret,
    )(ymix, outpre, ms, mt, w2m, b2m, osc, osh)


def _run(node_feature, pair_weight, nn_idx, etype, params,
         gather_fn=_sc_gather, interpret=False):
    p = params
    nin = node_feature.shape[1]
    n = node_feature.shape[2]
    k = nn_idx.shape[2]
    e = n * k
    net = etype.shape[1]
    nout = p["bias"].shape[0]

    F = node_feature[0, :, :, 0].T
    idx = nn_idx.reshape(1, e).astype(jnp.int32)
    PWe = pair_weight[0].transpose(1, 2, 0).reshape(e, -1)
    ETe = etype[0].transpose(1, 2, 0).reshape(e, -1)
    nknn = gather_fn(F, idx)

    w1n = p["wdy_node"]["w1"].T
    w1d = p["node"]["w1"].T
    WS1 = jnp.concatenate([w1n[:nin], w1d[:nin]], axis=1)
    WK1 = jnp.concatenate([w1n[nin:], w1d[nin:]], axis=1)
    WPW1 = jnp.concatenate(
        [p["wdy_pure"]["w1"].T, p["wdy_plus"]["w1"].T, p["weight"]["w1"].T],
        axis=1)

    T1, T2 = 200, 200
    REP1T = (jnp.arange(T1)[:, None]
             == jnp.arange(T1 * k)[None, :] // k).astype(F32)
    Spw, mupw = _pass1a(PWe, EB=6400, interpret=interpret)
    Sss, Ssk, Skk, muf, muk = _pass1b(F, nknn, REP1T, T1=T1,
                                      interpret=interpret)

    mean_n = (k * (muf[0] @ WS1) + muk[0] @ WK1) / e
    eyy_n = (k * jnp.sum(WS1 * (Sss @ WS1), axis=0)
             + 2.0 * jnp.sum(WS1 * (Ssk @ WK1), axis=0)
             + jnp.sum(WK1 * (Skk @ WK1), axis=0)) / e
    var_n = eyy_n - mean_n * mean_n
    g_n = jnp.concatenate([p["wdy_node"]["g"], p["node"]["g"]])
    bt_n = jnp.concatenate([p["wdy_node"]["bt"], p["node"]["bt"]])
    sc_n = jax.lax.rsqrt(var_n + 1e-5) * g_n
    WS1f = WS1 * sc_n[None, :]
    WK1f = WK1 * sc_n[None, :]
    B1n = (bt_n - mean_n * sc_n)[None, :]

    mean_p = (mupw[0] @ WPW1) / e
    var_p = jnp.sum(WPW1 * (Spw @ WPW1), axis=0) / e - mean_p * mean_p
    g_p = jnp.concatenate([p["wdy_pure"]["g"], p["wdy_plus"]["g"], p["weight"]["g"]])
    bt_p = jnp.concatenate([p["wdy_pure"]["bt"], p["wdy_plus"]["bt"], p["weight"]["bt"]])
    sc_p = jax.lax.rsqrt(var_p + 1e-5) * g_p
    WPW1f = WPW1 * sc_p[None, :]
    B1p = (bt_p - mean_p * sc_p)[None, :]

    W2n = p["wdy_node"]["w2"].T
    B2n = p["wdy_node"]["b2"][None, :]
    W2p = p["wdy_pure"]["w2"].T
    B2p = p["wdy_pure"]["b2"][None, :]
    W2q = p["wdy_plus"]["w2"].T
    B2q = p["wdy_plus"]["b2"][None, :]
    M1 = p["wdy_mix"]["w1"].T
    N2 = p["node"]["w2"].T
    B2d = p["node"]["b2"][None, :]
    V2 = p["weight"]["w2"].T
    B2w = p["weight"]["b2"][None, :]
    WF = p["wfilter_node"]
    FLT2 = p["filters2"].transpose(0, 2, 1).reshape(nout, nout * net)
    NFLT = p["nfilter"].reshape(nin, nout, net).transpose(0, 2, 1).reshape(nin, nout * net)
    BIAS = p["bias"][None, :]

    ymix, outpre, smx, ssmx, sot, ssot = _pass2(
        F, nknn, PWe, ETe, WS1f, WK1f, B1n, WPW1f, B1p,
        W2n, B2n, W2p, B2p, W2q, B2q, M1, N2, B2d, V2, B2w,
        WF, FLT2, NFLT, BIAS, T2=T2, interpret=interpret)

    mean_m = smx[0] / e
    var_m = ssmx[0] / e - mean_m * mean_m
    ms = jax.lax.rsqrt(var_m + 1e-5) * p["wdy_mix"]["g"]
    MS = ms[None, :]
    MT = (p["wdy_mix"]["bt"] - mean_m * ms)[None, :]
    W2m = p["wdy_mix"]["w2"].T
    B2m = p["wdy_mix"]["b2"][None, :]

    mean_o = sot[0] / n
    var_o = ssot[0] / n - mean_o * mean_o
    osv = jax.lax.rsqrt(var_o + 1e-5) * p["bn_g"]
    OS = osv[None, :]
    OT = (p["bn_b"] - mean_o * osv)[None, :]

    fw, outf = _pass3(ymix, outpre, MS, MT, W2m, B2m, OS, OT, T3=T2,
                      interpret=interpret)

    final_weight = fw.reshape(n, k, -1).transpose(2, 0, 1)[None]
    out = outf.T[None, :, :, None]
    return (out, final_weight)


def kernel(node_feature, pair_weight, nn_idx, etype, params):
    return _run(node_feature, pair_weight, nn_idx, etype, params)

# --- scband reference (transcript-rebuilt; emitter-appended) ---
"""Pipeline reference for scband-mp-conv-v2-56495999811914 (READ-ONLY COPY).

The authoritative reference and input builder live on the scoring server;
editing this copy changes nothing except your own understanding.
"""

import jax, jax.numpy as jnp
import numpy as np

B, N, K = 1, 10000, 16
NIN, NOUT, WIN, WOUT, NET = 128, 128, 16, 64, 4
MED = 3 * NIN


def _block_params(key, cin, cmid, cout):
    k1, k2 = jax.random.split(key)
    return {
        "w1": 0.02 * jax.random.normal(k1, (cmid, cin), jnp.float32),
        "b1": jnp.zeros((cmid,), jnp.float32),
        "g": jnp.ones((cmid,), jnp.float32),
        "bt": jnp.zeros((cmid,), jnp.float32),
        "w2": 0.02 * jax.random.normal(k2, (cout, cmid), jnp.float32),
        "b2": jnp.zeros((cout,), jnp.float32),
    }


def _apply_block(p, x):
    # Conv2d(1x1) -> BatchNorm2d(train-mode batch stats, affine) -> ReLU -> Conv2d(1x1)
    y = jnp.einsum('bcnk,oc->bonk', x, p["w1"]) + p["b1"][None, :, None, None]
    m = jnp.mean(y, axis=(0, 2, 3), keepdims=True)
    v = jnp.var(y, axis=(0, 2, 3), keepdims=True)
    y = (y - m) * jax.lax.rsqrt(v + 1e-5)
    y = y * p["g"][None, :, None, None] + p["bt"][None, :, None, None]
    y = jax.nn.relu(y)
    return jnp.einsum('bcnk,oc->bonk', y, p["w2"]) + p["b2"][None, :, None, None]


def setup_inputs(seed: int = 0):
    key = jax.random.key(seed)
    ks = jax.random.split(key, 12)
    node_feature = jax.random.normal(ks[0], (B, NIN, N, 1), jnp.float32)
    pair_weight = jax.random.normal(ks[1], (B, WIN, N, K), jnp.float32)
    nn_idx = jax.random.randint(ks[2], (B, N, K), 0, N)
    etype = jax.random.uniform(ks[3], (B, NET, N, K), jnp.float32)
    params = {
        "wdy_node": _block_params(ks[4], 2 * NIN, MED // 2, MED),
        "wdy_plus": _block_params(ks[5], WIN, MED // 2, MED),
        "wdy_pure": _block_params(ks[6], WIN, MED // 2, MED),
        "wdy_mix": _block_params(ks[7], MED, WOUT, WOUT),
        "node": _block_params(ks[8], 2 * NIN, NOUT // 2, NOUT),
        "weight": _block_params(ks[9], WIN, WOUT // 2, WOUT),
        "wfilter_node": jax.random.uniform(ks[10], (WOUT, NOUT), jnp.float32, -0.01, 0.01),
        "nfilter": jax.random.uniform(ks[11], (NIN, NOUT * NET), jnp.float32, -0.01, 0.01),
        "filters2": jax.random.uniform(jax.random.fold_in(key, 7), (NOUT, NOUT, NET), jnp.float32, -0.01, 0.01),
        "bias": jax.random.uniform(jax.random.fold_in(key, 99), (NOUT,), jnp.float32, 0.0, 0.05),
        "bn_g": jnp.ones((NOUT,), jnp.float32),
        "bn_b": jnp.zeros((NOUT,), jnp.float32),
    }
    return {"node_feature": node_feature, "pair_weight": pair_weight, "nn_idx": nn_idx, "etype": etype, "params": params}


def _forward(node_feature, pair_weight, nn_idx, etype, params):
    b, nin, nnodes = node_feature.shape[0], node_feature.shape[1], node_feature.shape[2]
    k = nn_idx.shape[2]
    # gather_pair_node_feature
    nf_sq = node_feature[:, :, :, 0]  # [B, nin, N]
    idx = jnp.broadcast_to(nn_idx.reshape(b, 1, nnodes * k), (b, nin, nnodes * k))
    nknn = jnp.take_along_axis(nf_sq, idx, axis=2).reshape(b, nin, nnodes, k)
    nself = jnp.broadcast_to(node_feature, (b, nin, nnodes, k))
    paired = jnp.concatenate([nself, nknn], axis=1)  # [B, 2*nin, N, k]
    # weight_dy_graph
    nfeat_dy = _apply_block(params["wdy_node"], paired)
    w_og = _apply_block(params["wdy_pure"], pair_weight)
    w_plus = _apply_block(params["wdy_plus"], pair_weight)
    final_weight = _apply_block(params["wdy_mix"], w_og + nfeat_dy * w_plus)  # [B, wout, N, k]
    # main path
    pn = _apply_block(params["node"], paired)  # [B, nout, N, k]
    pw = _apply_block(params["weight"], pair_weight)  # [B, wout, N, k]
    mediate = jnp.einsum('bwnk,wo->bonk', pw, params["wfilter_node"])
    pn = pn * mediate
    pn_flat = jnp.transpose(pn, (0, 2, 3, 1)).reshape(b * nnodes * k, NOUT)
    nfeat = jnp.transpose(node_feature, (0, 2, 3, 1)).reshape(-1, NIN) @ params["nfilter"]
    nfeat = nfeat.reshape(b, nnodes, 1, NOUT * NET)
    efeat = (pn_flat @ params["filters2"].reshape(NOUT, NOUT * NET)).reshape(b, nnodes, k, NOUT * NET)
    summed = (efeat + nfeat).reshape(-1, NOUT, NET)
    et = jnp.transpose(etype, (0, 2, 3, 1)).reshape(-1, NET)
    edge = jnp.einsum('xoe,xe->xo', summed, et).reshape(b, nnodes, k, NOUT)
    out = jnp.transpose(edge, (0, 3, 1, 2))  # [B, nout, N, k]
    out = out + params["bias"][None, :, None, None]
    out = jnp.max(out, axis=3, keepdims=True)  # aggregator 'max'
    m = jnp.mean(out, axis=(0, 2, 3), keepdims=True)
    v = jnp.var(out, axis=(0, 2, 3), keepdims=True)
    out = (out - m) * jax.lax.rsqrt(v + 1e-5)
    out = out * params["bn_g"][None, :, None, None] + params["bn_b"][None, :, None, None]
    out = jax.nn.relu(out)
    return (out, final_weight)


def reference(node_feature, pair_weight, nn_idx, etype, params):
    return _forward(node_feature, pair_weight, nn_idx, etype, params)

if __name__ == "__main__":
    import jax
    _d = setup_inputs()
    print(jax.jit(kernel)(*tuple(_d.values())))

</pallas_src>

<mosaic_0001>
#map = affine_map<(d0, d1) -> (0, 0)>
module attributes {stable_mosaic.version = 14 : i64} {
  func.func @gk(%arg0: i32, %arg1: i32, %arg2: memref<10000x128xf32, #tpu.memory_space<hbm>>, %arg3: memref<1x160000xi32, #tpu.memory_space<hbm>>, %arg4: memref<160000x128xf32, #tpu.memory_space<hbm>>) attributes {dimension_semantics = [#tpu.dimension_semantics<core_parallel>, #tpu.dimension_semantics<subcore_parallel>], iteration_bounds = array<i64: 2, 16>, scalar_prefetch = 0 : i64, scratch_operands = 0 : i64, tpu.core_type = #tpu.core_type<sc_vector_subcore>, window_params = [{transform_indices = #map}, {transform_indices = #map}, {transform_indices = #map}]} {
    %mul3A = arith.constant 1 : i32
    %mul3A_0 = arith.muli %arg1, %mul3A : i32
    %add3A = arith.constant 0 : i32
    %add3A_1 = arith.addi %add3A, %mul3A_0 : i32
    %mul3A_2 = arith.constant 16 : i32
    %mul3A_3 = arith.muli %arg0, %mul3A_2 : i32
    %add3A_4 = arith.addi %add3A_1, %mul3A_3 : i32
    %lt3A = arith.constant 2 : i32
    %lt3A_5 = arith.cmpi slt, %add3A_4, %lt3A : i32
    %jit3A = arith.constant 40 : i32
    %jit3A_6 = arith.constant 39 : i32
    %select_n3A = arith.select %lt3A_5, %jit3A, %jit3A_6 : i32
    %lt3A_7 = arith.constant 2 : i32
    %lt3A_8 = arith.cmpi slt, %add3A_4, %lt3A_7 : i32
    %mul3A_9 = arith.muli %add3A_4, %select_n3A : i32
    %mul3A_10 = arith.constant 39 : i32
    %mul3A_11 = arith.muli %add3A_4, %mul3A_10 : i32
    %add3A_12 = arith.constant 2 : i32
    %add3A_13 = arith.addi %mul3A_11, %add3A_12 : i32
    %select_n3A_14 = arith.select %lt3A_8, %mul3A_9, %add3A_13 : i32
    %mul3A_15 = arith.constant 1 : i32
    %mul3A_16 = arith.muli %mul3A_15, %select_n3A : i32
    "tpu.region"() ({
      %run_scoped3A = memref.alloca() : memref<2x1x128xi32, #tpu.memory_space<vmem>>
      %run_scoped3A_17 = tpu.sem_alloc : memref<2x!tpu.dma_semaphore, #tpu.memory_space<semaphore_mem>>
      %run_scoped3A_18 = memref.alloca() : memref<2x128x128xf32, #tpu.memory_space<vmem>>
      %run_scoped3A_19 = tpu.sem_alloc : memref<2x!tpu.dma_semaphore, #tpu.memory_space<semaphore_mem>>
      %gt3A = arith.constant 0 : i32
      %gt3A_20 = arith.cmpi sgt, %mul3A_16, %gt3A : i32
      %convert_element_type3A = arith.extui %gt3A_20 : i1 to i32
      %cond3A = arith.constant 0 : i32
      %cond3A_21 = arith.cmpi ne, %convert_element_type3A, %cond3A : i32
      scf.if %cond3A_21 {
        %mul3A_22 = arith.constant 1 : i32
        %mul3A_23 = arith.muli %mul3A_22, %select_n3A : i32
        %sub3A = arith.constant 1 : i32
        %sub3A_24 = arith.subi %mul3A_23, %sub3A : i32
        %eq3A = arith.constant 0 : i32
        %eq3A_25 = arith.cmpi eq, %sub3A_24, %eq3A : i32
        %add3A_26 = arith.constant 0 : i32
        %add3A_27 = arith.addi %add3A_26, %select_n3A_14 : i32
        %select_n3A_28 = arith.constant true
        %select_n3A_29 = arith.constant 0 : i32
        %select_n3A_30 = arith.constant -1 : i32
        %select_n3A_31 = arith.select %select_n3A_28, %select_n3A_30, %select_n3A_29 : i32
        %eq3A_32 = arith.constant -1 : i32
        %eq3A_33 = arith.cmpi eq, %select_n3A_31, %eq3A_32 : i32
        %sub3A_34 = arith.constant 1 : i32
        %sub3A_35 = arith.subi %select_n3A, %sub3A_34 : i32
        %select_n3A_36 = arith.select %eq3A_33, %sub3A_35, %select_n3A_31 : i32
        %add3A_37 = arith.addi %select_n3A_36, %select_n3A_14 : i32
        %select_n3A_38 = arith.constant true
        %select_n3A_39 = arith.constant 0 : i32
        %select_n3A_40 = arith.constant 1 : i32
        %select_n3A_41 = arith.select %select_n3A_38, %select_n3A_40, %select_n3A_39 : i32
        %eq3A_42 = arith.cmpi eq, %select_n3A_41, %select_n3A : i32
        %select_n3A_43 = arith.constant 0 : i32
        %select_n3A_44 = arith.select %eq3A_42, %select_n3A_43, %select_n3A_41 : i32
        %add3A_45 = arith.addi %select_n3A_44, %select_n3A_14 : i32
        %add3A_46 = arith.constant 1 : i32
        %add3A_47 = arith.addi %select_n3A_44, %add3A_46 : i32
        %select_n3A_48 = arith.constant true
        %select_n3A_49 = arith.select %select_n3A_48, %add3A_47, %select_n3A_44 : i32
        %eq3A_50 = arith.cmpi eq, %select_n3A_49, %select_n3A : i32
        %select_n3A_51 = arith.constant 0 : i32
        %select_n3A_52 = arith.select %eq3A_50, %select_n3A_51, %select_n3A_49 : i32
        %add3A_53 = arith.addi %select_n3A_52, %select_n3A_14 : i32
        "tpu.trace_start"() <{level = 10 : i32, message = "ep_initialize_0"}> : () -> ()
        %rem3A = arith.constant 0 : i32
        %rem3A_54 = arith.constant 2 : i32
        %rem3A_55 = arith.remui %rem3A, %rem3A_54 : i32
        %mul3A_56 = arith.constant 128 : i32
        %mul3A_57 = arith.muli %mul3A_56, %add3A_27 : i32
        %dma_start3A = arith.constant 0 : i32
        %dma_start3A_58 = arith.constant 0 : i32
        %dma_start3A_59 = tpu.memref_slice %run_scoped3A[%rem3A_55, %dma_start3A, %dma_start3A_58] : memref<2x1x128xi32, #tpu.memory_space<vmem>> -> memref<1x1x128xi32, #tpu.memory_space<vmem>>
        %dma_start3A_60 = tpu.memref_squeeze %dma_start3A_59 : memref<1x1x128xi32, #tpu.memory_space<vmem>> -> memref<1x128xi32, #tpu.memory_space<vmem>>
        %dma_start3A_61 = arith.constant 0 : i32
        %dma_start3A_62 = tpu.memref_slice %arg3[%dma_start3A_61, %mul3A_57] : memref<1x160000xi32, #tpu.memory_space<hbm>> -> memref<1x128xi32, #tpu.memory_space<hbm>>
        %dma_start3A_63 = tpu.memref_slice %run_scoped3A_17[%rem3A_55] : memref<2x!tpu.dma_semaphore, #tpu.memory_space<semaphore_mem>> -> memref<1x!tpu.dma_semaphore, #tpu.memory_space<semaphore_mem>>
        %dma_start3A_64 = tpu.memref_squeeze %dma_start3A_63 : memref<1x!tpu.dma_semaphore, #tpu.memory_space<semaphore_mem>> -> memref<!tpu.dma_semaphore, #tpu.memory_space<semaphore_mem>>
        %dma_start3A_65 = arith.constant 0 : i32
        %dma_start3A_66 = arith.constant 0 : i32
        %dma_start3A_67 = tpu.memref_slice %run_scoped3A[%rem3A_55, %dma_start3A_65, %dma_start3A_66] : memref<2x1x128xi32, #tpu.memory_space<vmem>> -> memref<1x1x128xi32, #tpu.memory_space<vmem>>
        %dma_start3A_68 = tpu.memref_squeeze %dma_start3A_67 : memref<1x1x128xi32, #tpu.memory_space<vmem>> -> memref<1x128xi32, #tpu.memory_space<vmem>>
        %dma_start3A_69 = arith.constant 0 : i32
        %dma_start3A_70 = tpu.memref_slice %arg3[%dma_start3A_69, %mul3A_57] : memref<1x160000xi32, #tpu.memory_space<hbm>> -> memref<1x128xi32, #tpu.memory_space<hbm>>
        tpu.enqueue_dma source(%dma_start3A_70 : memref<1x128xi32, #tpu.memory_space<hbm>>) target(%dma_start3A_68 : memref<1x128xi32, #tpu.memory_space<vmem>>) target_semaphore(%dma_start3A_64 : memref<!tpu.dma_semaphore, #tpu.memory_space<semaphore_mem>>)
        %add3A_71 = arith.constant 0 : i32
        %add3A_72 = arith.constant 1 : i32
        %add3A_73 = arith.addi %add3A_71, %add3A_72 : i32
        %select_n3A_74 = arith.constant true
        %select_n3A_75 = arith.constant 0 : i32
        %select_n3A_76 = arith.select %select_n3A_74, %add3A_73, %select_n3A_75 : i32
        %while3A = arith.constant 0 : i32
        %while3A_77 = arith.constant 0 : i32
        %while3A_78 = arith.constant 0 : i32
        %while3A_79 = arith.constant 0 : i32
        %while3A_80 = arith.constant 0 : i32
        "tpu.trace_stop"() : () -> ()
        %while3A_81 = arith.subi %mul3A_16, %while3A : i32
        %while3A_82 = arith.addi %while3A, %while3A_81 : i32
        %while3A_83 = arith.constant 1 : i32
        %while3A_84 = arith.divsi %while3A_81, %while3A_83 : i32
        %while3A_85 = arith.muli %while3A_84, %while3A_83 : i32
        %while3A_86 = arith.addi %while3A, %while3A_85 : i32
        %while3A_87 = arith.constant 1 : i32
        %while3A_88:5 = scf.for %while3A_142 = %while3A to %while3A_86 step %while3A_87 iter_args(%while3A_143 = %select_n3A_76, %while3A_144 = %while3A_77, %while3A_145 = %while3A_78, %while3A_146 = %while3A_79, %while3A_147 = %while3A_80) -> (i32, i32, i32, i32, i32)  : i32 {
          %mul3A_148 = arith.constant 1 : i32
          %mul3A_149 = arith.muli %mul3A_148, %select_n3A : i32
          %eq3A_150 = arith.constant 0 : i32
          %eq3A_151 = arith.cmpi eq, %while3A_142, %eq3A_150 : i32
          %sub3A_152 = arith.constant 1 : i32
          %sub3A_153 = arith.subi %mul3A_149, %sub3A_152 : i32
          %eq3A_154 = arith.cmpi eq, %while3A_142, %sub3A_153 : i32
          %add3A_155 = arith.addi %while3A_147, %select_n3A_14 : i32
          %sub3A_156 = arith.constant 1 : i32
          %sub3A_157 = arith.subi %while3A_147, %sub3A_156 : i32
          %select_n3A_158 = arith.constant true
          %select_n3A_159 = arith.select %select_n3A_158, %sub3A_157, %while3A_147 : i32
          %eq3A_160 = arith.constant -1 : i32
          %eq3A_161 = arith.cmpi eq, %select_n3A_159, %eq3A_160 : i32
          %sub3A_162 = arith.constant 1 : i32
          %sub3A_163 = arith.subi %select_n3A, %sub3A_162 : i32
          %select_n3A_164 = arith.select %eq3A_161, %sub3A_163, %select_n3A_159 : i32
          %add3A_165 = arith.addi %select_n3A_164, %select_n3A_14 : i32
          %add3A_166 = arith.constant 1 : i32
          %add3A_167 = arith.addi %while3A_147, %add3A_166 : i32
          %select_n3A_168 = arith.constant true
          %select_n3A_169 = arith.select %select_n3A_168, %add3A_167, %while3A_147 : i32
          %eq3A_170 = arith.cmpi eq, %select_n3A_169, %select_n3A : i32
          %select_n3A_171 = arith.constant 0 : i32
          %select_n3A_172 = arith.select %eq3A_170, %select_n3A_171, %select_n3A_169 : i32
          %add3A_173 = arith.addi %select_n3A_172, %select_n3A_14 : i32
          %add3A_174 = arith.constant 1 : i32
          %add3A_175 = arith.addi %select_n3A_172, %add3A_174 : i32
          %select_n3A_176 = arith.constant true
          %select_n3A_177 = arith.select %select_n3A_176, %add3A_175, %select_n3A_172 : i32
          %eq3A_178 = arith.cmpi eq, %select_n3A_177, %select_n3A : i32
          %select_n3A_179 = arith.constant 0 : i32
          %select_n3A_180 = arith.select %eq3A_178, %select_n3A_179, %select_n3A_177 : i32
          %add3A_181 = arith.addi %select_n3A_180, %select_n3A_14 : i32
          %ne3A = arith.cmpi ne, %add3A_155, %add3A_173 : i32
          %or3A = arith.constant false
          %or3A_182 = arith.ori %or3A, %ne3A : i1
          %sub3A_183 = arith.constant 2 : i32
          %sub3A_184 = arith.subi %mul3A_149, %sub3A_183 : i32
          %add3A_185 = arith.constant 1 : i32
          %add3A_186 = arith.addi %sub3A_184, %add3A_185 : i32
          %ge3A = arith.cmpi sge, %while3A_142, %add3A_186 : i32
          %not3A = arith.constant true
          %not3A_187 = arith.xori %ge3A, %not3A : i1
          %and3A = arith.andi %or3A_182, %not3A_187 : i1
          %convert_element_type3A_188 = arith.extui %and3A : i1 to i32
          %cond3A_189 = arith.constant 0 : i32
          %cond3A_190 = arith.cmpi ne, %convert_element_type3A_188, %cond3A_189 : i32
          scf.if %cond3A_190 {
            "tpu.trace_start"() <{level = 10 : i32, message = "ep_copy_in"}> : () -> ()
            %rem3A_294 = arith.constant 2 : i32
            %rem3A_295 = arith.remui %while3A_143, %rem3A_294 : i32
            %mul3A_296 = arith.constant 128 : i32
            %mul3A_297 = arith.muli %mul3A_296, %add3A_173 : i32
            %dma_start3A_298 = arith.constant 0 : i32
            %dma_start3A_299 = arith.constant 0 : i32
            %dma_start3A_300 = tpu.memref_slice %run_scoped3A[%rem3A_295, %dma_start3A_298, %dma_start3A_299] : memref<2x1x128xi32, #tpu.memory_space<vmem>> -> memref<1x1x128xi32, #tpu.memory_space<vmem>>
            %dma_start3A_301 = tpu.memref_squeeze %dma_start3A_300 : memref<1x1x128xi32, #tpu.memory_space<vmem>> -> memref<1x128xi32, #tpu.memory_space<vmem>>
            %dma_start3A_302 = arith.constant 0 : i32
            %dma_start3A_303 = tpu.memref_slice %arg3[%dma_start3A_302, %mul3A_297] : memref<1x160000xi32, #tpu.memory_space<hbm>> -> memref<1x128xi32, #tpu.memory_space<hbm>>
            %dma_start3A_304 = tpu.memref_slice %run_scoped3A_17[%rem3A_295] : memref<2x!tpu.dma_semaphore, #tpu.memory_space<semaphore_mem>> -> memref<1x!tpu.dma_semaphore, #tpu.memory_space<semaphore_mem>>
            %dma_start3A_305 = tpu.memref_squeeze %dma_start3A_304 : memref<1x!tpu.dma_semaphore, #tpu.memory_space<semaphore_mem>> -> memref<!tpu.dma_semaphore, #tpu.memory_space<semaphore_mem>>
            %dma_start3A_306 = arith.constant 0 : i32
            %dma_start3A_307 = arith.constant 0 : i32
            %dma_start3A_308 = tpu.memref_slice %run_scoped3A[%rem3A_295, %dma_start3A_306, %dma_start3A_307] : memref<2x1x128xi32, #tpu.memory_space<vmem>> -> memref<1x1x128xi32, #tpu.memory_space<vmem>>
            %dma_start3A_309 = tpu.memref_squeeze %dma_start3A_308 : memref<1x1x128xi32, #tpu.memory_space<vmem>> -> memref<1x128xi32, #tpu.memory_space<vmem>>
            %dma_start3A_310 = arith.constant 0 : i32
            %dma_start3A_311 = tpu.memref_slice %arg3[%dma_start3A_310, %mul3A_297] : memref<1x160000xi32, #tpu.memory_space<hbm>> -> memref<1x128xi32, #tpu.memory_space<hbm>>
            tpu.enqueue_dma source(%dma_start3A_311 : memref<1x128xi32, #tpu.memory_space<hbm>>) target(%dma_start3A_309 : memref<1x128xi32, #tpu.memory_space<vmem>>) target_semaphore(%dma_start3A_305 : memref<!tpu.dma_semaphore, #tpu.memory_space<semaphore_mem>>)
            "tpu.trace_stop"() : () -> ()
          } else {
          }
          %and3A_191 = arith.constant true
          %and3A_192 = arith.andi %and3A, %and3A_191 : i1
          %add3A_193 = arith.constant 1 : i32
          %add3A_194 = arith.addi %while3A_143, %add3A_193 : i32
          %select_n3A_195 = arith.select %and3A_192, %add3A_194, %while3A_143 : i32
          %ne3A_196 = arith.cmpi ne, %add3A_155, %add3A_173 : i32
          %or3A_197 = arith.constant false
          %or3A_198 = arith.ori %or3A_197, %ne3A_196 : i1
          %or3A_199 = arith.constant false
          %or3A_200 = arith.ori %or3A_198, %or3A_199 : i1
          %sub3A_201 = arith.constant 2 : i32
          %sub3A_202 = arith.subi %mul3A_149, %sub3A_201 : i32
          %add3A_203 = arith.constant 1 : i32
          %add3A_204 = arith.addi %sub3A_202, %add3A_203 : i32
          %ge3A_205 = arith.cmpi sge, %while3A_142, %add3A_204 : i32
          %not3A_206 = arith.constant true
          %not3A_207 = arith.xori %ge3A_205, %not3A_206 : i1
          %and3A_208 = arith.andi %or3A_200, %not3A_207 : i1
          %ne3A_209 = arith.cmpi ne, %add3A_155, %add3A_165 : i32
          %or3A_210 = arith.constant false
          %or3A_211 = arith.ori %or3A_210, %ne3A_209 : i1
          %or3A_212 = arith.ori %or3A_211, %eq3A_151 : i1
          %convert_element_type3A_213 = arith.extui %or3A_212 : i1 to i32
          %cond3A_214 = arith.constant 0 : i32
          %cond3A_215 = arith.cmpi ne, %convert_element_type3A_213, %cond3A_214 : i32
          scf.if %cond3A_215 {
            "tpu.trace_start"() <{level = 10 : i32, message = "ep_wait_in"}> : () -> ()
            %mul3A_294 = arith.constant 128 : i32
            %mul3A_295 = arith.muli %mul3A_294, %add3A_155 : i32
            %rem3A_296 = arith.constant 2 : i32
            %rem3A_297 = arith.remui %while3A_144, %rem3A_296 : i32
            %dma_wait3A = arith.constant 0 : i32
            %dma_wait3A_298 = arith.constant 0 : i32
            %dma_wait3A_299 = tpu.memref_slice %run_scoped3A[%rem3A_297, %dma_wait3A, %dma_wait3A_298] : memref<2x1x128xi32, #tpu.memory_space<vmem>> -> memref<1x1x128xi32, #tpu.memory_space<vmem>>
            %dma_wait3A_300 = tpu.memref_squeeze %dma_wait3A_299 : memref<1x1x128xi32, #tpu.memory_space<vmem>> -> memref<1x128xi32, #tpu.memory_space<vmem>>
            %dma_wait3A_301 = arith.constant 0 : i32
            %dma_wait3A_302 = tpu.memref_slice %arg3[%dma_wait3A_301, %mul3A_295] : memref<1x160000xi32, #tpu.memory_space<hbm>> -> memref<1x128xi32, #tpu.memory_space<hbm>>
            %dma_wait3A_303 = tpu.memref_slice %run_scoped3A_17[%rem3A_297] : memref<2x!tpu.dma_semaphore, #tpu.memory_space<semaphore_mem>> -> memref<1x!tpu.dma_semaphore, #tpu.memory_space<semaphore_mem>>
            %dma_wait3A_304 = tpu.memref_squeeze %dma_wait3A_303 : memref<1x!tpu.dma_semaphore, #tpu.memory_space<semaphore_mem>> -> memref<!tpu.dma_semaphore, #tpu.memory_space<semaphore_mem>>
            %dma_wait3A_305 = arith.constant 0 : i32
            %dma_wait3A_306 = arith.constant 0 : i32
            %dma_wait3A_307 = tpu.memref_slice %run_scoped3A[%rem3A_297, %dma_wait3A_305, %dma_wait3A_306] : memref<2x1x128xi32, #tpu.memory_space<vmem>> -> memref<1x1x128xi32, #tpu.memory_space<vmem>>
            %dma_wait3A_308 = tpu.memref_squeeze %dma_wait3A_307 : memref<1x1x128xi32, #tpu.memory_space<vmem>> -> memref<1x128xi32, #tpu.memory_space<vmem>>
            %dma_wait3A_309 = arith.constant 0 : i32
            %dma_wait3A_310 = tpu.memref_slice %arg3[%dma_wait3A_309, %mul3A_295] : memref<1x160000xi32, #tpu.memory_space<hbm>> -> memref<1x128xi32, #tpu.memory_space<hbm>>
            tpu.wait_dma2 semaphore(%dma_wait3A_304 : memref<!tpu.dma_semaphore, #tpu.memory_space<semaphore_mem>>) src(%dma_wait3A_310 : memref<1x128xi32, #tpu.memory_space<hbm>>) dst(%dma_wait3A_308 : memref<1x128xi32, #tpu.memory_space<vmem>>)
            "tpu.trace_stop"() : () -> ()
          } else {
          }
          %ne3A_216 = arith.cmpi ne, %add3A_155, %add3A_165 : i32
          %or3A_217 = arith.constant false
          %or3A_218 = arith.ori %or3A_217, %ne3A_216 : i1
          %or3A_219 = arith.constant false
          %or3A_220 = arith.ori %or3A_218, %or3A_219 : i1
          %or3A_221 = arith.ori %or3A_220, %eq3A_151 : i1
          %convert_element_type3A_222 = arith.extui %or3A_221 : i1 to i32
          %cond3A_223 = arith.constant 0 : i32
          %cond3A_224 = arith.cmpi ne, %convert_element_type3A_222, %cond3A_223 : i32
          scf.if %cond3A_224 {
          } else {
          }
          %rem3A_225 = arith.constant 2 : i32
          %rem3A_226 = arith.remui %while3A_144, %rem3A_225 : i32
          %rem3A_227 = arith.constant 2 : i32
          %rem3A_228 = arith.remui %while3A_145, %rem3A_227 : i32
          %run_scoped3A_229 = arith.constant 0 : i32
          "tpu.trace_start"() <{level = 10 : i32, message = "ep_run_kernel"}> : () -> ()
          "tpu.region"() ({
            %run_scoped3A_294 = tpu.sem_alloc : memref<!tpu.dma_semaphore, #tpu.memory_space<semaphore_mem>>
            %dma_start3A_295 = arith.constant 0 : i32
            %dma_start3A_296 = arith.constant 0 : i32
            %dma_start3A_297 = tpu.memref_slice %run_scoped3A_18[%rem3A_228, %dma_start3A_295, %dma_start3A_296] : memref<2x128x128xf32, #tpu.memory_space<vmem>> -> memref<1x128x128xf32, #tpu.memory_space<vmem>>
            %dma_start3A_298 = tpu.memref_squeeze %dma_start3A_297 : memref<1x128x128xf32, #tpu.memory_space<vmem>> -> memref<128x128xf32, #tpu.memory_space<vmem>>
            %dma_start3A_299 = arith.constant 0 : i32
            %dma_start3A_300 = arith.constant 0 : i32
            %dma_start3A_301 = tpu.memref_slice %run_scoped3A[%rem3A_226, %dma_start3A_299, %dma_start3A_300] : memref<2x1x128xi32, #tpu.memory_space<vmem>> -> memref<1x1x128xi32, #tpu.memory_space<vmem>>
            %dma_start3A_302 = tpu.memref_squeeze %dma_start3A_301 : memref<1x1x128xi32, #tpu.memory_space<vmem>> -> memref<1x128xi32, #tpu.memory_space<vmem>>
            %dma_start3A_303 = arith.constant 0 : i32
            %dma_start3A_304 = tpu.memref_slice %dma_start3A_302[%run_scoped3A_229, %dma_start3A_303] : memref<1x128xi32, #tpu.memory_space<vmem>> -> memref<1x128xi32, #tpu.memory_space<vmem>>
            %dma_start3A_305 = tpu.memref_squeeze %dma_start3A_304 : memref<1x128xi32, #tpu.memory_space<vmem>> -> memref<128xi32, #tpu.memory_space<vmem>>
            %dma_start3A_306 = arith.constant 0 : i32
            %dma_start3A_307 = arith.constant 0 : i32
            %dma_start3A_308 = tpu.memref_slice %arg2[%dma_start3A_306, %dma_start3A_307] : memref<10000x128xf32, #tpu.memory_space<hbm>> -> memref<10000x128xf32, #tpu.memory_space<hbm>>
            tpu.enqueue_indirect_dma source(%dma_start3A_308 : memref<10000x128xf32, #tpu.memory_space<hbm>>) target(%dma_start3A_298 : memref<128x128xf32, #tpu.memory_space<vmem>>) offsets(%dma_start3A_305 : memref<128xi32, #tpu.memory_space<vmem>>) semaphore(%run_scoped3A_294 : memref<!tpu.dma_semaphore, #tpu.memory_space<semaphore_mem>>)
            %dma_wait3A = arith.constant 0 : i32
            %dma_wait3A_309 = arith.constant 0 : i32
            %dma_wait3A_310 = tpu.memref_slice %run_scoped3A_18[%rem3A_228, %dma_wait3A, %dma_wait3A_309] : memref<2x128x128xf32, #tpu.memory_space<vmem>> -> memref<1x128x128xf32, #tpu.memory_space<vmem>>
            %dma_wait3A_311 = tpu.memref_squeeze %dma_wait3A_310 : memref<1x128x128xf32, #tpu.memory_space<vmem>> -> memref<128x128xf32, #tpu.memory_space<vmem>>
            %dma_wait3A_312 = arith.constant 0 : i32
            %dma_wait3A_313 = arith.constant 0 : i32
            %dma_wait3A_314 = tpu.memref_slice %run_scoped3A[%rem3A_226, %dma_wait3A_312, %dma_wait3A_313] : memref<2x1x128xi32, #tpu.memory_space<vmem>> -> memref<1x1x128xi32, #tpu.memory_space<vmem>>
            %dma_wait3A_315 = tpu.memref_squeeze %dma_wait3A_314 : memref<1x1x128xi32, #tpu.memory_space<vmem>> -> memref<1x128xi32, #tpu.memory_space<vmem>>
            %dma_wait3A_316 = arith.constant 0 : i32
            %dma_wait3A_317 = tpu.memref_slice %dma_wait3A_315[%run_scoped3A_229, %dma_wait3A_316] : memref<1x128xi32, #tpu.memory_space<vmem>> -> memref<1x128xi32, #tpu.memory_space<vmem>>
            %dma_wait3A_318 = tpu.memref_squeeze %dma_wait3A_317 : memref<1x128xi32, #tpu.memory_space<vmem>> -> memref<128xi32, #tpu.memory_space<vmem>>
            %dma_wait3A_319 = arith.constant 0 : i32
            %dma_wait3A_320 = arith.constant 0 : i32
            %dma_wait3A_321 = tpu.memref_slice %arg2[%dma_wait3A_319, %dma_wait3A_320] : memref<10000x128xf32, #tpu.memory_space<hbm>> -> memref<10000x128xf32, #tpu.memory_space<hbm>>
            tpu.wait_indirect_dma semaphore(%run_scoped3A_294 : memref<!tpu.dma_semaphore, #tpu.memory_space<semaphore_mem>>) src(%dma_wait3A_321 : memref<10000x128xf32, #tpu.memory_space<hbm>>) dst(%dma_wait3A_311 : memref<128x128xf32, #tpu.memory_space<vmem>>)
            tpu.yield
          }) : () -> ()
          "tpu.trace_stop"() : () -> ()
          %ne3A_230 = arith.cmpi ne, %add3A_155, %add3A_173 : i32
          %or3A_231 = arith.constant false
          %or3A_232 = arith.ori %or3A_231, %ne3A_230 : i1
          %or3A_233 = arith.ori %or3A_232, %eq3A_154 : i1
          %convert_element_type3A_234 = arith.extui %or3A_233 : i1 to i32
          %cond3A_235 = arith.constant 0 : i32
          %cond3A_236 = arith.cmpi ne, %convert_element_type3A_234, %cond3A_235 : i32
          scf.if %cond3A_236 {
          } else {
          }
          %and3A_237 = arith.constant false
          %and3A_238 = arith.andi %or3A_233, %and3A_237 : i1
          %ne3A_239 = arith.cmpi ne, %add3A_155, %add3A_173 : i32
          %or3A_240 = arith.constant false
          %or3A_241 = arith.ori %or3A_240, %ne3A_239 : i1
          %or3A_242 = arith.constant false
          %or3A_243 = arith.ori %or3A_241, %or3A_242 : i1
          %or3A_244 = arith.ori %or3A_243, %eq3A_154 : i1
          %convert_element_type3A_245 = arith.extui %or3A_244 : i1 to i32
          %cond3A_246 = arith.constant 0 : i32
          %cond3A_247 = arith.cmpi ne, %convert_element_type3A_245, %cond3A_246 : i32
          scf.if %cond3A_247 {
            "tpu.trace_start"() <{level = 10 : i32, message = "ep_copy_out"}> : () -> ()
            %rem3A_294 = arith.constant 2 : i32
            %rem3A_295 = arith.remui %while3A_145, %rem3A_294 : i32
            %mul3A_296 = arith.constant 128 : i32
            %mul3A_297 = arith.muli %mul3A_296, %add3A_155 : i32
            %dma_start3A_298 = arith.constant 0 : i32
            %dma_start3A_299 = arith.constant 0 : i32
            %dma_start3A_300 = tpu.memref_slice %run_scoped3A_18[%rem3A_295, %dma_start3A_298, %dma_start3A_299] : memref<2x128x128xf32, #tpu.memory_space<vmem>> -> memref<1x128x128xf32, #tpu.memory_space<vmem>>
            %dma_start3A_301 = tpu.memref_squeeze %dma_start3A_300 : memref<1x128x128xf32, #tpu.memory_space<vmem>> -> memref<128x128xf32, #tpu.memory_space<vmem>>
            %dma_start3A_302 = arith.constant 0 : i32
            %dma_start3A_303 = tpu.memref_slice %arg4[%mul3A_297, %dma_start3A_302] : memref<160000x128xf32, #tpu.memory_space<hbm>> -> memref<128x128xf32, #tpu.memory_space<hbm>>
            %dma_start3A_304 = tpu.memref_slice %run_scoped3A_19[%rem3A_295] : memref<2x!tpu.dma_semaphore, #tpu.memory_space<semaphore_mem>> -> memref<1x!tpu.dma_semaphore, #tpu.memory_space<semaphore_mem>>
            %dma_start3A_305 = tpu.memref_squeeze %dma_start3A_304 : memref<1x!tpu.dma_semaphore, #tpu.memory_space<semaphore_mem>> -> memref<!tpu.dma_semaphore, #tpu.memory_space<semaphore_mem>>
            %dma_start3A_306 = arith.constant 0 : i32
            %dma_start3A_307 = tpu.memref_slice %arg4[%mul3A_297, %dma_start3A_306] : memref<160000x128xf32, #tpu.memory_space<hbm>> -> memref<128x128xf32, #tpu.memory_space<hbm>>
            %dma_start3A_308 = arith.constant 0 : i32
            %dma_start3A_309 = arith.constant 0 : i32
            %dma_start3A_310 = tpu.memref_slice %run_scoped3A_18[%rem3A_295, %dma_start3A_308, %dma_start3A_309] : memref<2x128x128xf32, #tpu.memory_space<vmem>> -> memref<1x128x128xf32, #tpu.memory_space<vmem>>
            %dma_start3A_311 = tpu.memref_squeeze %dma_start3A_310 : memref<1x128x128xf32, #tpu.memory_space<vmem>> -> memref<128x128xf32, #tpu.memory_space<vmem>>
            tpu.enqueue_dma source(%dma_start3A_311 : memref<128x128xf32, #tpu.memory_space<vmem>>) target(%dma_start3A_307 : memref<128x128xf32, #tpu.memory_space<hbm>>) target_semaphore(%dma_start3A_305 : memref<!tpu.dma_semaphore, #tpu.memory_space<semaphore_mem>>)
            "tpu.trace_stop"() : () -> ()
          } else {
          }
          %and3A_248 = arith.constant true
          %and3A_249 = arith.andi %or3A_244, %and3A_248 : i1
          %add3A_250 = arith.constant 1 : i32
          %add3A_251 = arith.addi %while3A_145, %add3A_250 : i32
          %select_n3A_252 = arith.select %and3A_249, %add3A_251, %while3A_145 : i32
          %ne3A_253 = arith.cmpi ne, %add3A_155, %add3A_165 : i32
          %or3A_254 = arith.constant false
          %or3A_255 = arith.ori %or3A_254, %ne3A_253 : i1
          %not3A_256 = arith.constant true
          %not3A_257 = arith.xori %eq3A_151, %not3A_256 : i1
          %and3A_258 = arith.andi %or3A_255, %not3A_257 : i1
          %convert_element_type3A_259 = arith.extui %and3A_258 : i1 to i32
          %cond3A_260 = arith.constant 0 : i32
          %cond3A_261 = arith.cmpi ne, %convert_element_type3A_259, %cond3A_260 : i32
          scf.if %cond3A_261 {
          } else {
          }
          %and3A_262 = arith.constant false
          %and3A_263 = arith.andi %and3A_258, %and3A_262 : i1
          %ne3A_264 = arith.cmpi ne, %add3A_155, %add3A_165 : i32
          %or3A_265 = arith.constant false
          %or3A_266 = arith.ori %or3A_265, %ne3A_264 : i1
          %or3A_267 = arith.constant false
          %or3A_268 = arith.ori %or3A_266, %or3A_267 : i1
          %not3A_269 = arith.constant true
          %not3A_270 = arith.xori %eq3A_151, %not3A_269 : i1
          %and3A_271 = arith.andi %or3A_268, %not3A_270 : i1
          %convert_element_type3A_272 = arith.extui %and3A_271 : i1 to i32
          %cond3A_273 = arith.constant 0 : i32
          %cond3A_274 = arith.cmpi ne, %convert_element_type3A_272, %cond3A_273 : i32
          scf.if %cond3A_274 {
            "tpu.trace_start"() <{level = 10 : i32, message = "ep_wait_out"}> : () -> ()
            %rem3A_294 = arith.constant 2 : i32
            %rem3A_295 = arith.remui %while3A_146, %rem3A_294 : i32
            %mul3A_296 = arith.constant 128 : i32
            %mul3A_297 = arith.muli %mul3A_296, %add3A_165 : i32
            %dma_wait3A = arith.constant 0 : i32
            %dma_wait3A_298 = arith.constant 0 : i32
            %dma_wait3A_299 = tpu.memref_slice %run_scoped3A_18[%rem3A_295, %dma_wait3A, %dma_wait3A_298] : memref<2x128x128xf32, #tpu.memory_space<vmem>> -> memref<1x128x128xf32, #tpu.memory_space<vmem>>
            %dma_wait3A_300 = tpu.memref_squeeze %dma_wait3A_299 : memref<1x128x128xf32, #tpu.memory_space<vmem>> -> memref<128x128xf32, #tpu.memory_space<vmem>>
            %dma_wait3A_301 = arith.constant 0 : i32
            %dma_wait3A_302 = tpu.memref_slice %arg4[%mul3A_297, %dma_wait3A_301] : memref<160000x128xf32, #tpu.memory_space<hbm>> -> memref<128x128xf32, #tpu.memory_space<hbm>>
            %dma_wait3A_303 = tpu.memref_slice %run_scoped3A_19[%rem3A_295] : memref<2x!tpu.dma_semaphore, #tpu.memory_space<semaphore_mem>> -> memref<1x!tpu.dma_semaphore, #tpu.memory_space<semaphore_mem>>
            %dma_wait3A_304 = tpu.memref_squeeze %dma_wait3A_303 : memref<1x!tpu.dma_semaphore, #tpu.memory_space<semaphore_mem>> -> memref<!tpu.dma_semaphore, #tpu.memory_space<semaphore_mem>>
            %dma_wait3A_305 = arith.constant 0 : i32
            %dma_wait3A_306 = tpu.memref_slice %arg4[%mul3A_297, %dma_wait3A_305] : memref<160000x128xf32, #tpu.memory_space<hbm>> -> memref<128x128xf32, #tpu.memory_space<hbm>>
            %dma_wait3A_307 = arith.constant 0 : i32
            %dma_wait3A_308 = arith.constant 0 : i32
            %dma_wait3A_309 = tpu.memref_slice %run_scoped3A_18[%rem3A_295, %dma_wait3A_307, %dma_wait3A_308] : memref<2x128x128xf32, #tpu.memory_space<vmem>> -> memref<1x128x128xf32, #tpu.memory_space<vmem>>
            %dma_wait3A_310 = tpu.memref_squeeze %dma_wait3A_309 : memref<1x128x128xf32, #tpu.memory_space<vmem>> -> memref<128x128xf32, #tpu.memory_space<vmem>>
            tpu.wait_dma2 semaphore(%dma_wait3A_304 : memref<!tpu.dma_semaphore, #tpu.memory_space<semaphore_mem>>) src(%dma_wait3A_310 : memref<128x128xf32, #tpu.memory_space<vmem>>) dst(%dma_wait3A_306 : memref<128x128xf32, #tpu.memory_space<hbm>>)
            "tpu.trace_stop"() : () -> ()
          } else {
          }
          %and3A_275 = arith.constant true
          %and3A_276 = arith.andi %and3A_271, %and3A_275 : i1
          %add3A_277 = arith.constant 1 : i32
          %add3A_278 = arith.addi %while3A_146, %add3A_277 : i32
          %select_n3A_279 = arith.select %and3A_276, %add3A_278, %while3A_146 : i32
          %ne3A_280 = arith.cmpi ne, %add3A_155, %add3A_173 : i32
          %or3A_281 = arith.constant false
          %or3A_282 = arith.ori %or3A_281, %ne3A_280 : i1
          %or3A_283 = arith.ori %or3A_282, %eq3A_154 : i1
          %add3A_284 = arith.constant 1 : i32
          %add3A_285 = arith.addi %while3A_144, %add3A_284 : i32
          %select_n3A_286 = arith.select %or3A_283, %add3A_285, %while3A_144 : i32
          %add3A_287 = arith.constant 1 : i32
          %add3A_288 = arith.addi %while3A_147, %add3A_287 : i32
          %select_n3A_289 = arith.constant true
          %select_n3A_290 = arith.select %select_n3A_289, %add3A_288, %while3A_147 : i32
          %eq3A_291 = arith.cmpi eq, %select_n3A_290, %select_n3A : i32
          %select_n3A_292 = arith.constant 0 : i32
          %select_n3A_293 = arith.select %eq3A_291, %select_n3A_292, %select_n3A_290 : i32
          scf.yield %select_n3A_195, %select_n3A_286, %select_n3A_252, %select_n3A_279, %select_n3A_293 : i32, i32, i32, i32, i32
        }
        %while3A_89 = arith.constant 1 : i32
        %while3A_90:5 = scf.for %while3A_142 = %while3A_86 to %while3A_82 step %while3A_89 iter_args(%while3A_143 = %while3A_88#0, %while3A_144 = %while3A_88#1, %while3A_145 = %while3A_88#2, %while3A_146 = %while3A_88#3, %while3A_147 = %while3A_88#4) -> (i32, i32, i32, i32, i32)  : i32 {
          %mul3A_148 = arith.constant 1 : i32
          %mul3A_149 = arith.muli %mul3A_148, %select_n3A : i32
          %eq3A_150 = arith.constant 0 : i32
          %eq3A_151 = arith.cmpi eq, %while3A_142, %eq3A_150 : i32
          %sub3A_152 = arith.constant 1 : i32
          %sub3A_153 = arith.subi %mul3A_149, %sub3A_152 : i32
          %eq3A_154 = arith.cmpi eq, %while3A_142, %sub3A_153 : i32
          %add3A_155 = arith.addi %while3A_147, %select_n3A_14 : i32
          %sub3A_156 = arith.constant 1 : i32
          %sub3A_157 = arith.subi %while3A_147, %sub3A_156 : i32
          %select_n3A_158 = arith.constant true
          %select_n3A_159 = arith.select %select_n3A_158, %sub3A_157, %while3A_147 : i32
          %eq3A_160 = arith.constant -1 : i32
          %eq3A_161 = arith.cmpi eq, %select_n3A_159, %eq3A_160 : i32
          %sub3A_162 = arith.constant 1 : i32
          %sub3A_163 = arith.subi %select_n3A, %sub3A_162 : i32
          %select_n3A_164 = arith.select %eq3A_161, %sub3A_163, %select_n3A_159 : i32
          %add3A_165 = arith.addi %select_n3A_164, %select_n3A_14 : i32
          %add3A_166 = arith.constant 1 : i32
          %add3A_167 = arith.addi %while3A_147, %add3A_166 : i32
          %select_n3A_168 = arith.constant true
          %select_n3A_169 = arith.select %select_n3A_168, %add3A_167, %while3A_147 : i32
          %eq3A_170 = arith.cmpi eq, %select_n3A_169, %select_n3A : i32
          %select_n3A_171 = arith.constant 0 : i32
          %select_n3A_172 = arith.select %eq3A_170, %select_n3A_171, %select_n3A_169 : i32
          %add3A_173 = arith.addi %select_n3A_172, %select_n3A_14 : i32
          %add3A_174 = arith.constant 1 : i32
          %add3A_175 = arith.addi %select_n3A_172, %add3A_174 : i32
          %select_n3A_176 = arith.constant true
          %select_n3A_177 = arith.select %select_n3A_176, %add3A_175, %select_n3A_172 : i32
          %eq3A_178 = arith.cmpi eq, %select_n3A_177, %select_n3A : i32
          %select_n3A_179 = arith.constant 0 : i32
          %select_n3A_180 = arith.select %eq3A_178, %select_n3A_179, %select_n3A_177 : i32
          %add3A_181 = arith.addi %select_n3A_180, %select_n3A_14 : i32
          %ne3A = arith.cmpi ne, %add3A_155, %add3A_173 : i32
          %or3A = arith.constant false
          %or3A_182 = arith.ori %or3A, %ne3A : i1
          %sub3A_183 = arith.constant 2 : i32
          %sub3A_184 = arith.subi %mul3A_149, %sub3A_183 : i32
          %add3A_185 = arith.constant 1 : i32
          %add3A_186 = arith.addi %sub3A_184, %add3A_185 : i32
          %ge3A = arith.cmpi sge, %while3A_142, %add3A_186 : i32
          %not3A = arith.constant true
          %not3A_187 = arith.xori %ge3A, %not3A : i1
          %and3A = arith.andi %or3A_182, %not3A_187 : i1
          %convert_element_type3A_188 = arith.extui %and3A : i1 to i32
          %cond3A_189 = arith.constant 0 : i32
          %cond3A_190 = arith.cmpi ne, %convert_element_type3A_188, %cond3A_189 : i32
          scf.if %cond3A_190 {
            "tpu.trace_start"() <{level = 10 : i32, message = "ep_copy_in"}> : () -> ()
            %rem3A_294 = arith.constant 2 : i32
            %rem3A_295 = arith.remui %while3A_143, %rem3A_294 : i32
            %mul3A_296 = arith.constant 128 : i32
            %mul3A_297 = arith.muli %mul3A_296, %add3A_173 : i32
            %dma_start3A_298 = arith.constant 0 : i32
            %dma_start3A_299 = arith.constant 0 : i32
            %dma_start3A_300 = tpu.memref_slice %run_scoped3A[%rem3A_295, %dma_start3A_298, %dma_start3A_299] : memref<2x1x128xi32, #tpu.memory_space<vmem>> -> memref<1x1x128xi32, #tpu.memory_space<vmem>>
            %dma_start3A_301 = tpu.memref_squeeze %dma_start3A_300 : memref<1x1x128xi32, #tpu.memory_space<vmem>> -> memref<1x128xi32, #tpu.memory_space<vmem>>
            %dma_start3A_302 = arith.constant 0 : i32
            %dma_start3A_303 = tpu.memref_slice %arg3[%dma_start3A_302, %mul3A_297] : memref<1x160000xi32, #tpu.memory_space<hbm>> -> memref<1x128xi32, #tpu.memory_space<hbm>>
            %dma_start3A_304 = tpu.memref_slice %run_scoped3A_17[%rem3A_295] : memref<2x!tpu.dma_semaphore, #tpu.memory_space<semaphore_mem>> -> memref<1x!tpu.dma_semaphore, #tpu.memory_space<semaphore_mem>>
            %dma_start3A_305 = tpu.memref_squeeze %dma_start3A_304 : memref<1x!tpu.dma_semaphore, #tpu.memory_space<semaphore_mem>> -> memref<!tpu.dma_semaphore, #tpu.memory_space<semaphore_mem>>
            %dma_start3A_306 = arith.constant 0 : i32
            %dma_start3A_307 = arith.constant 0 : i32
            %dma_start3A_308 = tpu.memref_slice %run_scoped3A[%rem3A_295, %dma_start3A_306, %dma_start3A_307] : memref<2x1x128xi32, #tpu.memory_space<vmem>> -> memref<1x1x128xi32, #tpu.memory_space<vmem>>
            %dma_start3A_309 = tpu.memref_squeeze %dma_start3A_308 : memref<1x1x128xi32, #tpu.memory_space<vmem>> -> memref<1x128xi32, #tpu.memory_space<vmem>>
            %dma_start3A_310 = arith.constant 0 : i32
            %dma_start3A_311 = tpu.memref_slice %arg3[%dma_start3A_310, %mul3A_297] : memref<1x160000xi32, #tpu.memory_space<hbm>> -> memref<1x128xi32, #tpu.memory_space<hbm>>
            tpu.enqueue_dma source(%dma_start3A_311 : memref<1x128xi32, #tpu.memory_space<hbm>>) target(%dma_start3A_309 : memref<1x128xi32, #tpu.memory_space<vmem>>) target_semaphore(%dma_start3A_305 : memref<!tpu.dma_semaphore, #tpu.memory_space<semaphore_mem>>)
            "tpu.trace_stop"() : () -> ()
          } else {
          }
          %and3A_191 = arith.constant true
          %and3A_192 = arith.andi %and3A, %and3A_191 : i1
          %add3A_193 = arith.constant 1 : i32
          %add3A_194 = arith.addi %while3A_143, %add3A_193 : i32
          %select_n3A_195 = arith.select %and3A_192, %add3A_194, %while3A_143 : i32
          %ne3A_196 = arith.cmpi ne, %add3A_155, %add3A_173 : i32
          %or3A_197 = arith.constant false
          %or3A_198 = arith.ori %or3A_197, %ne3A_196 : i1
          %or3A_199 = arith.constant false
          %or3A_200 = arith.ori %or3A_198, %or3A_199 : i1
          %sub3A_201 = arith.constant 2 : i32
          %sub3A_202 = arith.subi %mul3A_149, %sub3A_201 : i32
          %add3A_203 = arith.constant 1 : i32
          %add3A_204 = arith.addi %sub3A_202, %add3A_203 : i32
          %ge3A_205 = arith.cmpi sge, %while3A_142, %add3A_204 : i32
          %not3A_206 = arith.constant true
          %not3A_207 = arith.xori %ge3A_205, %not3A_206 : i1
          %and3A_208 = arith.andi %or3A_200, %not3A_207 : i1
          %ne3A_209 = arith.cmpi ne, %add3A_155, %add3A_165 : i32
          %or3A_210 = arith.constant false
          %or3A_211 = arith.ori %or3A_210, %ne3A_209 : i1
          %or3A_212 = arith.ori %or3A_211, %eq3A_151 : i1
          %convert_element_type3A_213 = arith.extui %or3A_212 : i1 to i32
          %cond3A_214 = arith.constant 0 : i32
          %cond3A_215 = arith.cmpi ne, %convert_element_type3A_213, %cond3A_214 : i32
          scf.if %cond3A_215 {
            "tpu.trace_start"() <{level = 10 : i32, message = "ep_wait_in"}> : () -> ()
            %mul3A_294 = arith.constant 128 : i32
            %mul3A_295 = arith.muli %mul3A_294, %add3A_155 : i32
            %rem3A_296 = arith.constant 2 : i32
            %rem3A_297 = arith.remui %while3A_144, %rem3A_296 : i32
            %dma_wait3A = arith.constant 0 : i32
            %dma_wait3A_298 = arith.constant 0 : i32
            %dma_wait3A_299 = tpu.memref_slice %run_scoped3A[%rem3A_297, %dma_wait3A, %dma_wait3A_298] : memref<2x1x128xi32, #tpu.memory_space<vmem>> -> memref<1x1x128xi32, #tpu.memory_space<vmem>>
            %dma_wait3A_300 = tpu.memref_squeeze %dma_wait3A_299 : memref<1x1x128xi32, #tpu.memory_space<vmem>> -> memref<1x128xi32, #tpu.memory_space<vmem>>
            %dma_wait3A_301 = arith.constant 0 : i32
            %dma_wait3A_302 = tpu.memref_slice %arg3[%dma_wait3A_301, %mul3A_295] : memref<1x160000xi32, #tpu.memory_space<hbm>> -> memref<1x128xi32, #tpu.memory_space<hbm>>
            %dma_wait3A_303 = tpu.memref_slice %run_scoped3A_17[%rem3A_297] : memref<2x!tpu.dma_semaphore, #tpu.memory_space<semaphore_mem>> -> memref<1x!tpu.dma_semaphore, #tpu.memory_space<semaphore_mem>>
            %dma_wait3A_304 = tpu.memref_squeeze %dma_wait3A_303 : memref<1x!tpu.dma_semaphore, #tpu.memory_space<semaphore_mem>> -> memref<!tpu.dma_semaphore, #tpu.memory_space<semaphore_mem>>
            %dma_wait3A_305 = arith.constant 0 : i32
            %dma_wait3A_306 = arith.constant 0 : i32
            %dma_wait3A_307 = tpu.memref_slice %run_scoped3A[%rem3A_297, %dma_wait3A_305, %dma_wait3A_306] : memref<2x1x128xi32, #tpu.memory_space<vmem>> -> memref<1x1x128xi32, #tpu.memory_space<vmem>>
            %dma_wait3A_308 = tpu.memref_squeeze %dma_wait3A_307 : memref<1x1x128xi32, #tpu.memory_space<vmem>> -> memref<1x128xi32, #tpu.memory_space<vmem>>
            %dma_wait3A_309 = arith.constant 0 : i32
            %dma_wait3A_310 = tpu.memref_slice %arg3[%dma_wait3A_309, %mul3A_295] : memref<1x160000xi32, #tpu.memory_space<hbm>> -> memref<1x128xi32, #tpu.memory_space<hbm>>
            tpu.wait_dma2 semaphore(%dma_wait3A_304 : memref<!tpu.dma_semaphore, #tpu.memory_space<semaphore_mem>>) src(%dma_wait3A_310 : memref<1x128xi32, #tpu.memory_space<hbm>>) dst(%dma_wait3A_308 : memref<1x128xi32, #tpu.memory_space<vmem>>)
            "tpu.trace_stop"() : () -> ()
          } else {
          }
          %ne3A_216 = arith.cmpi ne, %add3A_155, %add3A_165 : i32
          %or3A_217 = arith.constant false
          %or3A_218 = arith.ori %or3A_217, %ne3A_216 : i1
          %or3A_219 = arith.constant false
          %or3A_220 = arith.ori %or3A_218, %or3A_219 : i1
          %or3A_221 = arith.ori %or3A_220, %eq3A_151 : i1
          %convert_element_type3A_222 = arith.extui %or3A_221 : i1 to i32
          %cond3A_223 = arith.constant 0 : i32
          %cond3A_224 = arith.cmpi ne, %convert_element_type3A_222, %cond3A_223 : i32
          scf.if %cond3A_224 {
          } else {
          }
          %rem3A_225 = arith.constant 2 : i32
          %rem3A_226 = arith.remui %while3A_144, %rem3A_225 : i32
          %rem3A_227 = arith.constant 2 : i32
          %rem3A_228 = arith.remui %while3A_145, %rem3A_227 : i32
          %run_scoped3A_229 = arith.constant 0 : i32
          "tpu.trace_start"() <{level = 10 : i32, message = "ep_run_kernel"}> : () -> ()
          "tpu.region"() ({
            %run_scoped3A_294 = tpu.sem_alloc : memref<!tpu.dma_semaphore, #tpu.memory_space<semaphore_mem>>
            %dma_start3A_295 = arith.constant 0 : i32
            %dma_start3A_296 = arith.constant 0 : i32
            %dma_start3A_297 = tpu.memref_slice %run_scoped3A_18[%rem3A_228, %dma_start3A_295, %dma_start3A_296] : memref<2x128x128xf32, #tpu.memory_space<vmem>> -> memref<1x128x128xf32, #tpu.memory_space<vmem>>
            %dma_start3A_298 = tpu.memref_squeeze %dma_start3A_297 : memref<1x128x128xf32, #tpu.memory_space<vmem>> -> memref<128x128xf32, #tpu.memory_space<vmem>>
            %dma_start3A_299 = arith.constant 0 : i32
            %dma_start3A_300 = arith.constant 0 : i32
            %dma_start3A_301 = tpu.memref_slice %run_scoped3A[%rem3A_226, %dma_start3A_299, %dma_start3A_300] : memref<2x1x128xi32, #tpu.memory_space<vmem>> -> memref<1x1x128xi32, #tpu.memory_space<vmem>>
            %dma_start3A_302 = tpu.memref_squeeze %dma_start3A_301 : memref<1x1x128xi32, #tpu.memory_space<vmem>> -> memref<1x128xi32, #tpu.memory_space<vmem>>
            %dma_start3A_303 = arith.constant 0 : i32
            %dma_start3A_304 = tpu.memref_slice %dma_start3A_302[%run_scoped3A_229, %dma_start3A_303] : memref<1x128xi32, #tpu.memory_space<vmem>> -> memref<1x128xi32, #tpu.memory_space<vmem>>
            %dma_start3A_305 = tpu.memref_squeeze %dma_start3A_304 : memref<1x128xi32, #tpu.memory_space<vmem>> -> memref<128xi32, #tpu.memory_space<vmem>>
            %dma_start3A_306 = arith.constant 0 : i32
            %dma_start3A_307 = arith.constant 0 : i32
            %dma_start3A_308 = tpu.memref_slice %arg2[%dma_start3A_306, %dma_start3A_307] : memref<10000x128xf32, #tpu.memory_space<hbm>> -> memref<10000x128xf32, #tpu.memory_space<hbm>>
            tpu.enqueue_indirect_dma source(%dma_start3A_308 : memref<10000x128xf32, #tpu.memory_space<hbm>>) target(%dma_start3A_298 : memref<128x128xf32, #tpu.memory_space<vmem>>) offsets(%dma_start3A_305 : memref<128xi32, #tpu.memory_space<vmem>>) semaphore(%run_scoped3A_294 : memref<!tpu.dma_semaphore, #tpu.memory_space<semaphore_mem>>)
            %dma_wait3A = arith.constant 0 : i32
            %dma_wait3A_309 = arith.constant 0 : i32
            %dma_wait3A_310 = tpu.memref_slice %run_scoped3A_18[%rem3A_228, %dma_wait3A, %dma_wait3A_309] : memref<2x128x128xf32, #tpu.memory_space<vmem>> -> memref<1x128x128xf32, #tpu.memory_space<vmem>>
            %dma_wait3A_311 = tpu.memref_squeeze %dma_wait3A_310 : memref<1x128x128xf32, #tpu.memory_space<vmem>> -> memref<128x128xf32, #tpu.memory_space<vmem>>
            %dma_wait3A_312 = arith.constant 0 : i32
            %dma_wait3A_313 = arith.constant 0 : i32
            %dma_wait3A_314 = tpu.memref_slice %run_scoped3A[%rem3A_226, %dma_wait3A_312, %dma_wait3A_313] : memref<2x1x128xi32, #tpu.memory_space<vmem>> -> memref<1x1x128xi32, #tpu.memory_space<vmem>>
            %dma_wait3A_315 = tpu.memref_squeeze %dma_wait3A_314 : memref<1x1x128xi32, #tpu.memory_space<vmem>> -> memref<1x128xi32, #tpu.memory_space<vmem>>
            %dma_wait3A_316 = arith.constant 0 : i32
            %dma_wait3A_317 = tpu.memref_slice %dma_wait3A_315[%run_scoped3A_229, %dma_wait3A_316] : memref<1x128xi32, #tpu.memory_space<vmem>> -> memref<1x128xi32, #tpu.memory_space<vmem>>
            %dma_wait3A_318 = tpu.memref_squeeze %dma_wait3A_317 : memref<1x128xi32, #tpu.memory_space<vmem>> -> memref<128xi32, #tpu.memory_space<vmem>>
            %dma_wait3A_319 = arith.constant 0 : i32
            %dma_wait3A_320 = arith.constant 0 : i32
            %dma_wait3A_321 = tpu.memref_slice %arg2[%dma_wait3A_319, %dma_wait3A_320] : memref<10000x128xf32, #tpu.memory_space<hbm>> -> memref<10000x128xf32, #tpu.memory_space<hbm>>
            tpu.wait_indirect_dma semaphore(%run_scoped3A_294 : memref<!tpu.dma_semaphore, #tpu.memory_space<semaphore_mem>>) src(%dma_wait3A_321 : memref<10000x128xf32, #tpu.memory_space<hbm>>) dst(%dma_wait3A_311 : memref<128x128xf32, #tpu.memory_space<vmem>>)
            tpu.yield
          }) : () -> ()
          "tpu.trace_stop"() : () -> ()
          %ne3A_230 = arith.cmpi ne, %add3A_155, %add3A_173 : i32
          %or3A_231 = arith.constant false
          %or3A_232 = arith.ori %or3A_231, %ne3A_230 : i1
          %or3A_233 = arith.ori %or3A_232, %eq3A_154 : i1
          %convert_element_type3A_234 = arith.extui %or3A_233 : i1 to i32
          %cond3A_235 = arith.constant 0 : i32
          %cond3A_236 = arith.cmpi ne, %convert_element_type3A_234, %cond3A_235 : i32
          scf.if %cond3A_236 {
          } else {
          }
          %and3A_237 = arith.constant false
          %and3A_238 = arith.andi %or3A_233, %and3A_237 : i1
          %ne3A_239 = arith.cmpi ne, %add3A_155, %add3A_173 : i32
          %or3A_240 = arith.constant false
          %or3A_241 = arith.ori %or3A_240, %ne3A_239 : i1
          %or3A_242 = arith.constant false
          %or3A_243 = arith.ori %or3A_241, %or3A_242 : i1
          %or3A_244 = arith.ori %or3A_243, %eq3A_154 : i1
          %convert_element_type3A_245 = arith.extui %or3A_244 : i1 to i32
          %cond3A_246 = arith.constant 0 : i32
          %cond3A_247 = arith.cmpi ne, %convert_element_type3A_245, %cond3A_246 : i32
          scf.if %cond3A_247 {
            "tpu.trace_start"() <{level = 10 : i32, message = "ep_copy_out"}> : () -> ()
            %rem3A_294 = arith.constant 2 : i32
            %rem3A_295 = arith.remui %while3A_145, %rem3A_294 : i32
            %mul3A_296 = arith.constant 128 : i32
            %mul3A_297 = arith.muli %mul3A_296, %add3A_155 : i32
            %dma_start3A_298 = arith.constant 0 : i32
            %dma_start3A_299 = arith.constant 0 : i32
            %dma_start3A_300 = tpu.memref_slice %run_scoped3A_18[%rem3A_295, %dma_start3A_298, %dma_start3A_299] : memref<2x128x128xf32, #tpu.memory_space<vmem>> -> memref<1x128x128xf32, #tpu.memory_space<vmem>>
            %dma_start3A_301 = tpu.memref_squeeze %dma_start3A_300 : memref<1x128x128xf32, #tpu.memory_space<vmem>> -> memref<128x128xf32, #tpu.memory_space<vmem>>
            %dma_start3A_302 = arith.constant 0 : i32
            %dma_start3A_303 = tpu.memref_slice %arg4[%mul3A_297, %dma_start3A_302] : memref<160000x128xf32, #tpu.memory_space<hbm>> -> memref<128x128xf32, #tpu.memory_space<hbm>>
            %dma_start3A_304 = tpu.memref_slice %run_scoped3A_19[%rem3A_295] : memref<2x!tpu.dma_semaphore, #tpu.memory_space<semaphore_mem>> -> memref<1x!tpu.dma_semaphore, #tpu.memory_space<semaphore_mem>>
            %dma_start3A_305 = tpu.memref_squeeze %dma_start3A_304 : memref<1x!tpu.dma_semaphore, #tpu.memory_space<semaphore_mem>> -> memref<!tpu.dma_semaphore, #tpu.memory_space<semaphore_mem>>
            %dma_start3A_306 = arith.constant 0 : i32
            %dma_start3A_307 = tpu.memref_slice %arg4[%mul3A_297, %dma_start3A_306] : memref<160000x128xf32, #tpu.memory_space<hbm>> -> memref<128x128xf32, #tpu.memory_space<hbm>>
            %dma_start3A_308 = arith.constant 0 : i32
            %dma_start3A_309 = arith.constant 0 : i32
            %dma_start3A_310 = tpu.memref_slice %run_scoped3A_18[%rem3A_295, %dma_start3A_308, %dma_start3A_309] : memref<2x128x128xf32, #tpu.memory_space<vmem>> -> memref<1x128x128xf32, #tpu.memory_space<vmem>>
            %dma_start3A_311 = tpu.memref_squeeze %dma_start3A_310 : memref<1x128x128xf32, #tpu.memory_space<vmem>> -> memref<128x128xf32, #tpu.memory_space<vmem>>
            tpu.enqueue_dma source(%dma_start3A_311 : memref<128x128xf32, #tpu.memory_space<vmem>>) target(%dma_start3A_307 : memref<128x128xf32, #tpu.memory_space<hbm>>) target_semaphore(%dma_start3A_305 : memref<!tpu.dma_semaphore, #tpu.memory_space<semaphore_mem>>)
            "tpu.trace_stop"() : () -> ()
          } else {
          }
          %and3A_248 = arith.constant true
          %and3A_249 = arith.andi %or3A_244, %and3A_248 : i1
          %add3A_250 = arith.constant 1 : i32
          %add3A_251 = arith.addi %while3A_145, %add3A_250 : i32
          %select_n3A_252 = arith.select %and3A_249, %add3A_251, %while3A_145 : i32
          %ne3A_253 = arith.cmpi ne, %add3A_155, %add3A_165 : i32
          %or3A_254 = arith.constant false
          %or3A_255 = arith.ori %or3A_254, %ne3A_253 : i1
          %not3A_256 = arith.constant true
          %not3A_257 = arith.xori %eq3A_151, %not3A_256 : i1
          %and3A_258 = arith.andi %or3A_255, %not3A_257 : i1
          %convert_element_type3A_259 = arith.extui %and3A_258 : i1 to i32
          %cond3A_260 = arith.constant 0 : i32
          %cond3A_261 = arith.cmpi ne, %convert_element_type3A_259, %cond3A_260 : i32
          scf.if %cond3A_261 {
          } else {
          }
          %and3A_262 = arith.constant false
          %and3A_263 = arith.andi %and3A_258, %and3A_262 : i1
          %ne3A_264 = arith.cmpi ne, %add3A_155, %add3A_165 : i32
          %or3A_265 = arith.constant false
          %or3A_266 = arith.ori %or3A_265, %ne3A_264 : i1
          %or3A_267 = arith.constant false
          %or3A_268 = arith.ori %or3A_266, %or3A_267 : i1
          %not3A_269 = arith.constant true
          %not3A_270 = arith.xori %eq3A_151, %not3A_269 : i1
          %and3A_271 = arith.andi %or3A_268, %not3A_270 : i1
          %convert_element_type3A_272 = arith.extui %and3A_271 : i1 to i32
          %cond3A_273 = arith.constant 0 : i32
          %cond3A_274 = arith.cmpi ne, %convert_element_type3A_272, %cond3A_273 : i32
          scf.if %cond3A_274 {
            "tpu.trace_start"() <{level = 10 : i32, message = "ep_wait_out"}> : () -> ()
            %rem3A_294 = arith.constant 2 : i32
            %rem3A_295 = arith.remui %while3A_146, %rem3A_294 : i32
            %mul3A_296 = arith.constant 128 : i32
            %mul3A_297 = arith.muli %mul3A_296, %add3A_165 : i32
            %dma_wait3A = arith.constant 0 : i32
            %dma_wait3A_298 = arith.constant 0 : i32
            %dma_wait3A_299 = tpu.memref_slice %run_scoped3A_18[%rem3A_295, %dma_wait3A, %dma_wait3A_298] : memref<2x128x128xf32, #tpu.memory_space<vmem>> -> memref<1x128x128xf32, #tpu.memory_space<vmem>>
            %dma_wait3A_300 = tpu.memref_squeeze %dma_wait3A_299 : memref<1x128x128xf32, #tpu.memory_space<vmem>> -> memref<128x128xf32, #tpu.memory_space<vmem>>
            %dma_wait3A_301 = arith.constant 0 : i32
            %dma_wait3A_302 = tpu.memref_slice %arg4[%mul3A_297, %dma_wait3A_301] : memref<160000x128xf32, #tpu.memory_space<hbm>> -> memref<128x128xf32, #tpu.memory_space<hbm>>
            %dma_wait3A_303 = tpu.memref_slice %run_scoped3A_19[%rem3A_295] : memref<2x!tpu.dma_semaphore, #tpu.memory_space<semaphore_mem>> -> memref<1x!tpu.dma_semaphore, #tpu.memory_space<semaphore_mem>>
            %dma_wait3A_304 = tpu.memref_squeeze %dma_wait3A_303 : memref<1x!tpu.dma_semaphore, #tpu.memory_space<semaphore_mem>> -> memref<!tpu.dma_semaphore, #tpu.memory_space<semaphore_mem>>
            %dma_wait3A_305 = arith.constant 0 : i32
            %dma_wait3A_306 = tpu.memref_slice %arg4[%mul3A_297, %dma_wait3A_305] : memref<160000x128xf32, #tpu.memory_space<hbm>> -> memref<128x128xf32, #tpu.memory_space<hbm>>
            %dma_wait3A_307 = arith.constant 0 : i32
            %dma_wait3A_308 = arith.constant 0 : i32
            %dma_wait3A_309 = tpu.memref_slice %run_scoped3A_18[%rem3A_295, %dma_wait3A_307, %dma_wait3A_308] : memref<2x128x128xf32, #tpu.memory_space<vmem>> -> memref<1x128x128xf32, #tpu.memory_space<vmem>>
            %dma_wait3A_310 = tpu.memref_squeeze %dma_wait3A_309 : memref<1x128x128xf32, #tpu.memory_space<vmem>> -> memref<128x128xf32, #tpu.memory_space<vmem>>
            tpu.wait_dma2 semaphore(%dma_wait3A_304 : memref<!tpu.dma_semaphore, #tpu.memory_space<semaphore_mem>>) src(%dma_wait3A_310 : memref<128x128xf32, #tpu.memory_space<vmem>>) dst(%dma_wait3A_306 : memref<128x128xf32, #tpu.memory_space<hbm>>)
            "tpu.trace_stop"() : () -> ()
          } else {
          }
          %and3A_275 = arith.constant true
          %and3A_276 = arith.andi %and3A_271, %and3A_275 : i1
          %add3A_277 = arith.constant 1 : i32
          %add3A_278 = arith.addi %while3A_146, %add3A_277 : i32
          %select_n3A_279 = arith.select %and3A_276, %add3A_278, %while3A_146 : i32
          %ne3A_280 = arith.cmpi ne, %add3A_155, %add3A_173 : i32
          %or3A_281 = arith.constant false
          %or3A_282 = arith.ori %or3A_281, %ne3A_280 : i1
          %or3A_283 = arith.ori %or3A_282, %eq3A_154 : i1
          %add3A_284 = arith.constant 1 : i32
          %add3A_285 = arith.addi %while3A_144, %add3A_284 : i32
          %select_n3A_286 = arith.select %or3A_283, %add3A_285, %while3A_144 : i32
          %add3A_287 = arith.constant 1 : i32
          %add3A_288 = arith.addi %while3A_147, %add3A_287 : i32
          %select_n3A_289 = arith.constant true
          %select_n3A_290 = arith.select %select_n3A_289, %add3A_288, %while3A_147 : i32
          %eq3A_291 = arith.cmpi eq, %select_n3A_290, %select_n3A : i32
          %select_n3A_292 = arith.constant 0 : i32
          %select_n3A_293 = arith.select %eq3A_291, %select_n3A_292, %select_n3A_290 : i32
          scf.yield %select_n3A_195, %select_n3A_286, %select_n3A_252, %select_n3A_279, %select_n3A_293 : i32, i32, i32, i32, i32
        }
        %sub3A_91 = arith.constant 1 : i32
        %sub3A_92 = arith.subi %while3A_90#4, %sub3A_91 : i32
        %select_n3A_93 = arith.constant true
        %select_n3A_94 = arith.select %select_n3A_93, %sub3A_92, %while3A_90#4 : i32
        %eq3A_95 = arith.constant -1 : i32
        %eq3A_96 = arith.cmpi eq, %select_n3A_94, %eq3A_95 : i32
        %sub3A_97 = arith.constant 1 : i32
        %sub3A_98 = arith.subi %select_n3A, %sub3A_97 : i32
        %select_n3A_99 = arith.select %eq3A_96, %sub3A_98, %select_n3A_94 : i32
        %sub3A_100 = arith.constant 1 : i32
        %sub3A_101 = arith.subi %mul3A_16, %sub3A_100 : i32
        %mul3A_102 = arith.constant 1 : i32
        %mul3A_103 = arith.muli %mul3A_102, %select_n3A : i32
        %eq3A_104 = arith.constant 0 : i32
        %eq3A_105 = arith.cmpi eq, %sub3A_101, %eq3A_104 : i32
        %sub3A_106 = arith.constant 1 : i32
        %sub3A_107 = arith.subi %mul3A_103, %sub3A_106 : i32
        %eq3A_108 = arith.cmpi eq, %sub3A_101, %sub3A_107 : i32
        %add3A_109 = arith.addi %select_n3A_99, %select_n3A_14 : i32
        %sub3A_110 = arith.constant 1 : i32
        %sub3A_111 = arith.subi %select_n3A_99, %sub3A_110 : i32
        %select_n3A_112 = arith.constant true
        %select_n3A_113 = arith.select %select_n3A_112, %sub3A_111, %select_n3A_99 : i32
        %eq3A_114 = arith.constant -1 : i32
        %eq3A_115 = arith.cmpi eq, %select_n3A_113, %eq3A_114 : i32
        %sub3A_116 = arith.constant 1 : i32
        %sub3A_117 = arith.subi %select_n3A, %sub3A_116 : i32
        %select_n3A_118 = arith.select %eq3A_115, %sub3A_117, %select_n3A_113 : i32
        %add3A_119 = arith.addi %select_n3A_118, %select_n3A_14 : i32
        %add3A_120 = arith.constant 1 : i32
        %add3A_121 = arith.addi %select_n3A_99, %add3A_120 : i32
        %select_n3A_122 = arith.constant true
        %select_n3A_123 = arith.select %select_n3A_122, %add3A_121, %select_n3A_99 : i32
        %eq3A_124 = arith.cmpi eq, %select_n3A_123, %select_n3A : i32
        %select_n3A_125 = arith.constant 0 : i32
        %select_n3A_126 = arith.select %eq3A_124, %select_n3A_125, %select_n3A_123 : i32
        %add3A_127 = arith.addi %select_n3A_126, %select_n3A_14 : i32
        %add3A_128 = arith.constant 1 : i32
        %add3A_129 = arith.addi %select_n3A_126, %add3A_128 : i32
        %select_n3A_130 = arith.constant true
        %select_n3A_131 = arith.select %select_n3A_130, %add3A_129, %select_n3A_126 : i32
        %eq3A_132 = arith.cmpi eq, %select_n3A_131, %select_n3A : i32
        %select_n3A_133 = arith.constant 0 : i32
        %select_n3A_134 = arith.select %eq3A_132, %select_n3A_133, %select_n3A_131 : i32
        %add3A_135 = arith.addi %select_n3A_134, %select_n3A_14 : i32
        %convert_element_type3A_136 = arith.extui %eq3A_108 : i1 to i32
        %cond3A_137 = arith.constant 0 : i32
        %cond3A_138 = arith.cmpi ne, %convert_element_type3A_136, %cond3A_137 : i32
        scf.if %cond3A_138 {
        } else {
        }
        %convert_element_type3A_139 = arith.extui %eq3A_108 : i1 to i32
        %cond3A_140 = arith.constant 0 : i32
        %cond3A_141 = arith.cmpi ne, %convert_element_type3A_139, %cond3A_140 : i32
        scf.if %cond3A_141 {
          "tpu.trace_start"() <{level = 10 : i32, message = "ep_finalize"}> : () -> ()
          %rem3A_142 = arith.constant 2 : i32
          %rem3A_143 = arith.remui %while3A_90#3, %rem3A_142 : i32
          %mul3A_144 = arith.constant 128 : i32
          %mul3A_145 = arith.muli %mul3A_144, %add3A_109 : i32
          %dma_wait3A = arith.constant 0 : i32
          %dma_wait3A_146 = arith.constant 0 : i32
          %dma_wait3A_147 = tpu.memref_slice %run_scoped3A_18[%rem3A_143, %dma_wait3A, %dma_wait3A_146] : memref<2x128x128xf32, #tpu.memory_space<vmem>> -> memref<1x128x128xf32, #tpu.memory_space<vmem>>
          %dma_wait3A_148 = tpu.memref_squeeze %dma_wait3A_147 : memref<1x128x128xf32, #tpu.memory_space<vmem>> -> memref<128x128xf32, #tpu.memory_space<vmem>>
          %dma_wait3A_149 = arith.constant 0 : i32
          %dma_wait3A_150 = tpu.memref_slice %arg4[%mul3A_145, %dma_wait3A_149] : memref<160000x128xf32, #tpu.memory_space<hbm>> -> memref<128x128xf32, #tpu.memory_space<hbm>>
          %dma_wait3A_151 = tpu.memref_slice %run_scoped3A_19[%rem3A_143] : memref<2x!tpu.dma_semaphore, #tpu.memory_space<semaphore_mem>> -> memref<1x!tpu.dma_semaphore, #tpu.memory_space<semaphore_mem>>
          %dma_wait3A_152 = tpu.memref_squeeze %dma_wait3A_151 : memref<1x!tpu.dma_semaphore, #tpu.memory_space<semaphore_mem>> -> memref<!tpu.dma_semaphore, #tpu.memory_space<semaphore_mem>>
          %dma_wait3A_153 = arith.constant 0 : i32
          %dma_wait3A_154 = tpu.memref_slice %arg4[%mul3A_145, %dma_wait3A_153] : memref<160000x128xf32, #tpu.memory_space<hbm>> -> memref<128x128xf32, #tpu.memory_space<hbm>>
          %dma_wait3A_155 = arith.constant 0 : i32
          %dma_wait3A_156 = arith.constant 0 : i32
          %dma_wait3A_157 = tpu.memref_slice %run_scoped3A_18[%rem3A_143, %dma_wait3A_155, %dma_wait3A_156] : memref<2x128x128xf32, #tpu.memory_space<vmem>> -> memref<1x128x128xf32, #tpu.memory_space<vmem>>
          %dma_wait3A_158 = tpu.memref_squeeze %dma_wait3A_157 : memref<1x128x128xf32, #tpu.memory_space<vmem>> -> memref<128x128xf32, #tpu.memory_space<vmem>>
          tpu.wait_dma2 semaphore(%dma_wait3A_152 : memref<!tpu.dma_semaphore, #tpu.memory_space<semaphore_mem>>) src(%dma_wait3A_158 : memref<128x128xf32, #tpu.memory_space<vmem>>) dst(%dma_wait3A_154 : memref<128x128xf32, #tpu.memory_space<hbm>>)
          "tpu.trace_stop"() : () -> ()
        } else {
        }
      } else {
      }
      tpu.yield
    }) : () -> ()
    return
  }
}

module attributes {stable_mosaic.version = 14 : i64} {
  func.func @body(%arg0: i32, %arg1: memref<6400x16xf32, #tpu.memory_space<vmem>>, %arg2: memref<16x16xf32, #tpu.memory_space<vmem>>, %arg3: memref<8x16xf32, #tpu.memory_space<vmem>>) attributes {dimension_semantics = [#tpu.dimension_semantics<arbitrary>], iteration_bounds = array<i64: 25>, scalar_prefetch = 0 : i64, scratch_operands = 0 : i64, tpu.core_type = #tpu.core_type<tc>, window_params = [{transform_indices = @transform_0, window_bounds = array<i64: 6400, 16>}, {pipeline_mode = #tpu.pipeline_mode<synchronous>, transform_indices = @transform_1, window_bounds = array<i64: 16, 16>}, {pipeline_mode = #tpu.pipeline_mode<synchronous>, transform_indices = @transform_2, window_bounds = array<i64: 8, 16>}]} {
    %get3A = arith.constant 0 : index
    %get3A_0 = arith.constant 0 : index
    %get3A_1 = vector.load %arg1[%get3A, %get3A_0] : memref<6400x16xf32, #tpu.memory_space<vmem>>, vector<6400x16xf32>
    %dot_general3A = arith.constant dense<0.000000e+00> : vector<16x16xf32>
    %dot_general3A_2 = tpu.matmul %get3A_1, %get3A_1, %dot_general3A {dimension_numbers = #tpu.dot_dimension_numbers<[0], [0], [1], [1], [0, 1, 1, 1], [], []>, transpose_lhs_hint = false} : vector<6400x16xf32>, vector<6400x16xf32>, vector<16x16xf32> -> vector<16x16xf32>
    %eq3A = arith.constant 0 : i32
    %eq3A_3 = arith.cmpi eq, %arg0, %eq3A : i32
    %convert_element_type3A = arith.extui %eq3A_3 : i1 to i32
    %cond3A = arith.constant 0 : i32
    %cond3A_4 = arith.cmpi ne, %convert_element_type3A, %cond3A : i32
    scf.if %cond3A_4 {
      %broadcast_in_dim3A_20 = arith.constant 0.000000e+00 : f32
      %broadcast_in_dim3A_21 = vector.broadcast %broadcast_in_dim3A_20 : f32 to vector<16x16xf32>
      %swap3A_22 = arith.constant 0 : index
      %swap3A_23 = arith.constant 0 : index
      %swap3A_24 = vector.load %arg2[%swap3A_22, %swap3A_23] : memref<16x16xf32, #tpu.memory_space<vmem>>, vector<16x16xf32>
      tpu.vector_store %arg2[%swap3A_22, %swap3A_23], %broadcast_in_dim3A_21 {strides = array<i32>} : memref<16x16xf32, #tpu.memory_space<vmem>>, vector<16x16xf32>,
      %broadcast_in_dim3A_25 = arith.constant 0.000000e+00 : f32
      %broadcast_in_dim3A_26 = vector.broadcast %broadcast_in_dim3A_25 : f32 to vector<8x16xf32>
      %swap3A_27 = arith.constant 0 : index
      %swap3A_28 = arith.constant 0 : index
      %swap3A_29 = vector.load %arg3[%swap3A_27, %swap3A_28] : memref<8x16xf32, #tpu.memory_space<vmem>>, vector<8x16xf32>
      tpu.vector_store %arg3[%swap3A_27, %swap3A_28], %broadcast_in_dim3A_26 {strides = array<i32>} : memref<8x16xf32, #tpu.memory_space<vmem>>, vector<8x16xf32>,
    } else {
    }
    %get3A_5 = arith.constant 0 : index
    %get3A_6 = arith.constant 0 : index
    %get3A_7 = vector.load %arg2[%get3A_5, %get3A_6] : memref<16x16xf32, #tpu.memory_space<vmem>>, vector<16x16xf32>
    %add3A = arith.addf %get3A_7, %dot_general3A_2 : vector<16x16xf32>
    %swap3A = arith.constant 0 : index
    %swap3A_8 = arith.constant 0 : index
    %swap3A_9 = vector.load %arg2[%swap3A, %swap3A_8] : memref<16x16xf32, #tpu.memory_space<vmem>>, vector<16x16xf32>
    tpu.vector_store %arg2[%swap3A, %swap3A_8], %add3A {strides = array<i32>} : memref<16x16xf32, #tpu.memory_space<vmem>>, vector<16x16xf32>,
    %get3A_10 = arith.constant 0 : index
    %get3A_11 = arith.constant 0 : index
    %get3A_12 = vector.load %arg3[%get3A_10, %get3A_11] : memref<8x16xf32, #tpu.memory_space<vmem>>, vector<8x16xf32>
    %broadcast_in_dim3A = arith.constant 1.000000e+00 : f32
    %broadcast_in_dim3A_13 = vector.broadcast %broadcast_in_dim3A : f32 to vector<8x6400xf32>
    %dot_general3A_14 = arith.constant dense<0.000000e+00> : vector<8x16xf32>
    %dot_general3A_15 = tpu.matmul %broadcast_in_dim3A_13, %get3A_1, %dot_general3A_14 {dimension_numbers = #tpu.dot_dimension_numbers<[1], [0], [0], [1], [0, 0, 1, 1], [], []>, transpose_lhs_hint = false} : vector<8x6400xf32>, vector<6400x16xf32>, vector<8x16xf32> -> vector<8x16xf32>
    %add3A_16 = arith.addf %get3A_12, %dot_general3A_15 : vector<8x16xf32>
    %swap3A_17 = arith.constant 0 : index
    %swap3A_18 = arith.constant 0 : index
    %swap3A_19 = vector.load %arg3[%swap3A_17, %swap3A_18] : memref<8x16xf32, #tpu.memory_space<vmem>>, vector<8x16xf32>
    tpu.vector_store %arg3[%swap3A_17, %swap3A_18], %add3A_16 {strides = array<i32>} : memref<8x16xf32, #tpu.memory_space<vmem>>, vector<8x16xf32>,
    return
  }
  func.func @transform_0(%arg0: i32) -> (i32, i32) {
    %c0_i32 = arith.constant 0 : i32
    %c0_i32_0 = arith.constant 0 : i32
    return %arg0, %c0_i32 : i32, i32
  }
  func.func @transform_1(%arg0: i32) -> (i32, i32) {
    %c0_i32 = arith.constant 0 : i32
    %c0_i32_0 = arith.constant 0 : i32
    %c0_i32_1 = arith.constant 0 : i32
    return %c0_i32, %c0_i32_0 : i32, i32
  }
  func.func @transform_2(%arg0: i32) -> (i32, i32) {
    %c0_i32 = arith.constant 0 : i32
    %c0_i32_0 = arith.constant 0 : i32
    %c0_i32_1 = arith.constant 0 : i32
    return %c0_i32, %c0_i32_0 : i32, i32
  }
}

module attributes {stable_mosaic.version = 14 : i64} {
  func.func @body(%arg0: i32, %arg1: memref<200x128xf32, #tpu.memory_space<vmem>>, %arg2: memref<3200x128xf32, #tpu.memory_space<vmem>>, %arg3: memref<200x3200xf32, #tpu.memory_space<vmem>>, %arg4: memref<128x128xf32, #tpu.memory_space<vmem>>, %arg5: memref<128x128xf32, #tpu.memory_space<vmem>>, %arg6: memref<128x128xf32, #tpu.memory_space<vmem>>, %arg7: memref<8x128xf32, #tpu.memory_space<vmem>>, %arg8: memref<8x128xf32, #tpu.memory_space<vmem>>) attributes {dimension_semantics = [#tpu.dimension_semantics<arbitrary>], iteration_bounds = array<i64: 50>, scalar_prefetch = 0 : i64, scratch_operands = 0 : i64, tpu.core_type = #tpu.core_type<tc>, window_params = [{transform_indices = @transform_0, window_bounds = array<i64: 200, 128>}, {transform_indices = @transform_1, window_bounds = array<i64: 3200, 128>}, {pipeline_mode = #tpu.pipeline_mode<synchronous>, transform_indices = @transform_2, window_bounds = array<i64: 200, 3200>}, {pipeline_mode = #tpu.pipeline_mode<synchronous>, transform_indices = @transform_3, window_bounds = array<i64: 128, 128>}, {pipeline_mode = #tpu.pipeline_mode<synchronous>, transform_indices = @transform_4, window_bounds = array<i64: 128, 128>}, {pipeline_mode = #tpu.pipeline_mode<synchronous>, transform_indices = @transform_5, window_bounds = array<i64: 128, 128>}, {pipeline_mode = #tpu.pipeline_mode<synchronous>, transform_indices = @transform_6, window_bounds = array<i64: 8, 128>}, {pipeline_mode = #tpu.pipeline_mode<synchronous>, transform_indices = @transform_7, window_bounds = array<i64: 8, 128>}]} {
    %get3A = arith.constant 0 : index
    %get3A_0 = arith.constant 0 : index
    %get3A_1 = vector.load %arg1[%get3A, %get3A_0] : memref<200x128xf32, #tpu.memory_space<vmem>>, vector<200x128xf32>
    %get3A_2 = arith.constant 0 : index
    %get3A_3 = arith.constant 0 : index
    %get3A_4 = vector.load %arg2[%get3A_2, %get3A_3] : memref<3200x128xf32, #tpu.memory_space<vmem>>, vector<3200x128xf32>
    %get3A_5 = arith.constant 0 : index
    %get3A_6 = arith.constant 0 : index
    %get3A_7 = vector.load %arg3[%get3A_5, %get3A_6] : memref<200x3200xf32, #tpu.memory_space<vmem>>, vector<200x3200xf32>
    %dot_general3A = arith.constant dense<0.000000e+00> : vector<200x128xf32>
    %dot_general3A_8 = tpu.matmul %get3A_7, %get3A_4, %dot_general3A {dimension_numbers = #tpu.dot_dimension_numbers<[1], [0], [0], [1], [0, 0, 1, 1], [], []>, transpose_lhs_hint = false} : vector<200x3200xf32>, vector<3200x128xf32>, vector<200x128xf32> -> vector<200x128xf32>
    %dot_general3A_9 = arith.constant dense<0.000000e+00> : vector<128x128xf32>
    %dot_general3A_10 = tpu.matmul %get3A_1, %get3A_1, %dot_general3A_9 {dimension_numbers = #tpu.dot_dimension_numbers<[0], [0], [1], [1], [0, 1, 1, 1], [], []>, transpose_lhs_hint = false} : vector<200x128xf32>, vector<200x128xf32>, vector<128x128xf32> -> vector<128x128xf32>
    %dot_general3A_11 = arith.constant dense<0.000000e+00> : vector<128x128xf32>
    %dot_general3A_12 = tpu.matmul %get3A_1, %dot_general3A_8, %dot_general3A_11 {dimension_numbers = #tpu.dot_dimension_numbers<[0], [0], [1], [1], [0, 1, 1, 1], [], []>, transpose_lhs_hint = false} : vector<200x128xf32>, vector<200x128xf32>, vector<128x128xf32> -> vector<128x128xf32>
    %dot_general3A_13 = arith.constant dense<0.000000e+00> : vector<128x128xf32>
    %dot_general3A_14 = tpu.matmul %get3A_4, %get3A_4, %dot_general3A_13 {dimension_numbers = #tpu.dot_dimension_numbers<[0], [0], [1], [1], [0, 1, 1, 1], [], []>, transpose_lhs_hint = false} : vector<3200x128xf32>, vector<3200x128xf32>, vector<128x128xf32> -> vector<128x128xf32>
    %eq3A = arith.constant 0 : i32
    %eq3A_15 = arith.cmpi eq, %arg0, %eq3A : i32
    %convert_element_type3A = arith.extui %eq3A_15 : i1 to i32
    %cond3A = arith.constant 0 : i32
    %cond3A_16 = arith.cmpi ne, %convert_element_type3A, %cond3A : i32
    scf.if %cond3A_16 {
      %broadcast_in_dim3A_57 = arith.constant 0.000000e+00 : f32
      %broadcast_in_dim3A_58 = vector.broadcast %broadcast_in_dim3A_57 : f32 to vector<128x128xf32>
      %swap3A_59 = arith.constant 0 : index
      %swap3A_60 = arith.constant 0 : index
      %swap3A_61 = vector.load %arg4[%swap3A_59, %swap3A_60] : memref<128x128xf32, #tpu.memory_space<vmem>>, vector<128x128xf32>
      tpu.vector_store %arg4[%swap3A_59, %swap3A_60], %broadcast_in_dim3A_58 {strides = array<i32>} : memref<128x128xf32, #tpu.memory_space<vmem>>, vector<128x128xf32>,
      %broadcast_in_dim3A_62 = arith.constant 0.000000e+00 : f32
      %broadcast_in_dim3A_63 = vector.broadcast %broadcast_in_dim3A_62 : f32 to vector<128x128xf32>
      %swap3A_64 = arith.constant 0 : index
      %swap3A_65 = arith.constant 0 : index
      %swap3A_66 = vector.load %arg5[%swap3A_64, %swap3A_65] : memref<128x128xf32, #tpu.memory_space<vmem>>, vector<128x128xf32>
      tpu.vector_store %arg5[%swap3A_64, %swap3A_65], %broadcast_in_dim3A_63 {strides = array<i32>} : memref<128x128xf32, #tpu.memory_space<vmem>>, vector<128x128xf32>,
      %broadcast_in_dim3A_67 = arith.constant 0.000000e+00 : f32
      %broadcast_in_dim3A_68 = vector.broadcast %broadcast_in_dim3A_67 : f32 to vector<128x128xf32>
      %swap3A_69 = arith.constant 0 : index
      %swap3A_70 = arith.constant 0 : index
      %swap3A_71 = vector.load %arg6[%swap3A_69, %swap3A_70] : memref<128x128xf32, #tpu.memory_space<vmem>>, vector<128x128xf32>
      tpu.vector_store %arg6[%swap3A_69, %swap3A_70], %broadcast_in_dim3A_68 {strides = array<i32>} : memref<128x128xf32, #tpu.memory_space<vmem>>, vector<128x128xf32>,
      %broadcast_in_dim3A_72 = arith.constant 0.000000e+00 : f32
      %broadcast_in_dim3A_73 = vector.broadcast %broadcast_in_dim3A_72 : f32 to vector<8x128xf32>
      %swap3A_74 = arith.constant 0 : index
      %swap3A_75 = arith.constant 0 : index
      %swap3A_76 = vector.load %arg7[%swap3A_74, %swap3A_75] : memref<8x128xf32, #tpu.memory_space<vmem>>, vector<8x128xf32>
      tpu.vector_store %arg7[%swap3A_74, %swap3A_75], %broadcast_in_dim3A_73 {strides = array<i32>} : memref<8x128xf32, #tpu.memory_space<vmem>>, vector<8x128xf32>,
      %broadcast_in_dim3A_77 = arith.constant 0.000000e+00 : f32
      %broadcast_in_dim3A_78 = vector.broadcast %broadcast_in_dim3A_77 : f32 to vector<8x128xf32>
      %swap3A_79 = arith.constant 0 : index
      %swap3A_80 = arith.constant 0 : index
      %swap3A_81 = vector.load %arg8[%swap3A_79, %swap3A_80] : memref<8x128xf32, #tpu.memory_space<vmem>>, vector<8x128xf32>
      tpu.vector_store %arg8[%swap3A_79, %swap3A_80], %broadcast_in_dim3A_78 {strides = array<i32>} : memref<8x128xf32, #tpu.memory_space<vmem>>, vector<8x128xf32>,
    } else {
    }
    %get3A_17 = arith.constant 0 : index
    %get3A_18 = arith.constant 0 : index
    %get3A_19 = vector.load %arg4[%get3A_17, %get3A_18] : memref<128x128xf32, #tpu.memory_space<vmem>>, vector<128x128xf32>
    %add3A = arith.addf %get3A_19, %dot_general3A_10 : vector<128x128xf32>
    %swap3A = arith.constant 0 : index
    %swap3A_20 = arith.constant 0 : index
    %swap3A_21 = vector.load %arg4[%swap3A, %swap3A_20] : memref<128x128xf32, #tpu.memory_space<vmem>>, vector<128x128xf32>
    tpu.vector_store %arg4[%swap3A, %swap3A_20], %add3A {strides = array<i32>} : memref<128x128xf32, #tpu.memory_space<vmem>>, vector<128x128xf32>,
    %get3A_22 = arith.constant 0 : index
    %get3A_23 = arith.constant 0 : index
    %get3A_24 = vector.load %arg5[%get3A_22, %get3A_23] : memref<128x128xf32, #tpu.memory_space<vmem>>, vector<128x128xf32>
    %add3A_25 = arith.addf %get3A_24, %dot_general3A_12 : vector<128x128xf32>
    %swap3A_26 = arith.constant 0 : index
    %swap3A_27 = arith.constant 0 : index
    %swap3A_28 = vector.load %arg5[%swap3A_26, %swap3A_27] : memref<128x128xf32, #tpu.memory_space<vmem>>, vector<128x128xf32>
    tpu.vector_store %arg5[%swap3A_26, %swap3A_27], %add3A_25 {strides = array<i32>} : memref<128x128xf32, #tpu.memory_space<vmem>>, vector<128x128xf32>,
    %get3A_29 = arith.constant 0 : index
    %get3A_30 = arith.constant 0 : index
    %get3A_31 = vector.load %arg6[%get3A_29, %get3A_30] : memref<128x128xf32, #tpu.memory_space<vmem>>, vector<128x128xf32>
    %add3A_32 = arith.addf %get3A_31, %dot_general3A_14 : vector<128x128xf32>
    %swap3A_33 = arith.constant 0 : index
    %swap3A_34 = arith.constant 0 : index
    %swap3A_35 = vector.load %arg6[%swap3A_33, %swap3A_34] : memref<128x128xf32, #tpu.memory_space<vmem>>, vector<128x128xf32>
    tpu.vector_store %arg6[%swap3A_33, %swap3A_34], %add3A_32 {strides = array<i32>} : memref<128x128xf32, #tpu.memory_space<vmem>>, vector<128x128xf32>,
    %get3A_36 = arith.constant 0 : index
    %get3A_37 = arith.constant 0 : index
    %get3A_38 = vector.load %arg7[%get3A_36, %get3A_37] : memref<8x128xf32, #tpu.memory_space<vmem>>, vector<8x128xf32>
    %broadcast_in_dim3A = arith.constant 1.000000e+00 : f32
    %broadcast_in_dim3A_39 = vector.broadcast %broadcast_in_dim3A : f32 to vector<8x200xf32>
    %dot_general3A_40 = arith.constant dense<0.000000e+00> : vector<8x128xf32>
    %dot_general3A_41 = tpu.matmul %broadcast_in_dim3A_39, %get3A_1, %dot_general3A_40 {dimension_numbers = #tpu.dot_dimension_numbers<[1], [0], [0], [1], [0, 0, 1, 1], [], []>, transpose_lhs_hint = false} : vector<8x200xf32>, vector<200x128xf32>, vector<8x128xf32> -> vector<8x128xf32>
    %add3A_42 = arith.addf %get3A_38, %dot_general3A_41 : vector<8x128xf32>
    %swap3A_43 = arith.constant 0 : index
    %swap3A_44 = arith.constant 0 : index
    %swap3A_45 = vector.load %arg7[%swap3A_43, %swap3A_44] : memref<8x128xf32, #tpu.memory_space<vmem>>, vector<8x128xf32>
    tpu.vector_store %arg7[%swap3A_43, %swap3A_44], %add3A_42 {strides = array<i32>} : memref<8x128xf32, #tpu.memory_space<vmem>>, vector<8x128xf32>,
    %get3A_46 = arith.constant 0 : index
    %get3A_47 = arith.constant 0 : index
    %get3A_48 = vector.load %arg8[%get3A_46, %get3A_47] : memref<8x128xf32, #tpu.memory_space<vmem>>, vector<8x128xf32>
    %broadcast_in_dim3A_49 = arith.constant 1.000000e+00 : f32
    %broadcast_in_dim3A_50 = vector.broadcast %broadcast_in_dim3A_49 : f32 to vector<8x3200xf32>
    %dot_general3A_51 = arith.constant dense<0.000000e+00> : vector<8x128xf32>
    %dot_general3A_52 = tpu.matmul %broadcast_in_dim3A_50, %get3A_4, %dot_general3A_51 {dimension_numbers = #tpu.dot_dimension_numbers<[1], [0], [0], [1], [0, 0, 1, 1], [], []>, transpose_lhs_hint = false} : vector<8x3200xf32>, vector<3200x128xf32>, vector<8x128xf32> -> vector<8x128xf32>
    %add3A_53 = arith.addf %get3A_48, %dot_general3A_52 : vector<8x128xf32>
    %swap3A_54 = arith.constant 0 : index
    %swap3A_55 = arith.constant 0 : index
    %swap3A_56 = vector.load %arg8[%swap3A_54, %swap3A_55] : memref<8x128xf32, #tpu.memory_space<vmem>>, vector<8x128xf32>
    tpu.vector_store %arg8[%swap3A_54, %swap3A_55], %add3A_53 {strides = array<i32>} : memref<8x128xf32, #tpu.memory_space<vmem>>, vector<8x128xf32>,
    return
  }
  func.func @transform_0(%arg0: i32) -> (i32, i32) {
    %c0_i32 = arith.constant 0 : i32
    %c0_i32_0 = arith.constant 0 : i32
    return %arg0, %c0_i32 : i32, i32
  }
  func.func @transform_1(%arg0: i32) -> (i32, i32) {
    %c0_i32 = arith.constant 0 : i32
    %c0_i32_0 = arith.constant 0 : i32
    return %arg0, %c0_i32 : i32, i32
  }
  func.func @transform_2(%arg0: i32) -> (i32, i32) {
    %c0_i32 = arith.constant 0 : i32
    %c0_i32_0 = arith.constant 0 : i32
    %c0_i32_1 = arith.constant 0 : i32
    return %c0_i32, %c0_i32_0 : i32, i32
  }
  func.func @transform_3(%arg0: i32) -> (i32, i32) {
    %c0_i32 = arith.constant 0 : i32
    %c0_i32_0 = arith.constant 0 : i32
    %c0_i32_1 = arith.constant 0 : i32
    return %c0_i32, %c0_i32_0 : i32, i32
  }
  func.func @transform_4(%arg0: i32) -> (i32, i32) {
    %c0_i32 = arith.constant 0 : i32
    %c0_i32_0 = arith.constant 0 : i32
    %c0_i32_1 = arith.constant 0 : i32
    return %c0_i32, %c0_i32_0 : i32, i32
  }
  func.func @transform_5(%arg0: i32) -> (i32, i32) {
    %c0_i32 = arith.constant 0 : i32
    %c0_i32_0 = arith.constant 0 : i32
    %c0_i32_1 = arith.constant 0 : i32
    return %c0_i32, %c0_i32_0 : i32, i32
  }
  func.func @transform_6(%arg0: i32) -> (i32, i32) {
    %c0_i32 = arith.constant 0 : i32
    %c0_i32_0 = arith.constant 0 : i32
    %c0_i32_1 = arith.constant 0 : i32
    return %c0_i32, %c0_i32_0 : i32, i32
  }
  func.func @transform_7(%arg0: i32) -> (i32, i32) {
    %c0_i32 = arith.constant 0 : i32
    %c0_i32_0 = arith.constant 0 : i32
    %c0_i32_1 = arith.constant 0 : i32
    return %c0_i32, %c0_i32_0 : i32, i32
  }
}

module attributes {stable_mosaic.version = 14 : i64} {
  func.func @body(%arg0: i32, %arg1: memref<200x128xf32, #tpu.memory_space<vmem>>, %arg2: memref<3200x128xf32, #tpu.memory_space<vmem>>, %arg3: memref<3200x16xf32, #tpu.memory_space<vmem>>, %arg4: memref<3200x4xf32, #tpu.memory_space<vmem>>, %arg5: memref<128x256xf32, #tpu.memory_space<vmem>>, %arg6: memref<128x256xf32, #tpu.memory_space<vmem>>, %arg7: memref<1x256xf32, #tpu.memory_space<vmem>>, %arg8: memref<16x416xf32, #tpu.memory_space<vmem>>, %arg9: memref<1x416xf32, #tpu.memory_space<vmem>>, %arg10: memref<192x384xf32, #tpu.memory_space<vmem>>, %arg11: memref<1x384xf32, #tpu.memory_space<vmem>>, %arg12: memref<192x384xf32, #tpu.memory_space<vmem>>, %arg13: memref<1x384xf32, #tpu.memory_space<vmem>>, %arg14: memref<192x384xf32, #tpu.memory_space<vmem>>, %arg15: memref<1x384xf32, #tpu.memory_space<vmem>>, %arg16: memref<384x64xf32, #tpu.memory_space<vmem>>, %arg17: memref<64x128xf32, #tpu.memory_space<vmem>>, %arg18: memref<1x128xf32, #tpu.memory_space<vmem>>, %arg19: memref<32x64xf32, #tpu.memory_space<vmem>>, %arg20: memref<1x64xf32, #tpu.memory_space<vmem>>, %arg21: memref<64x128xf32, #tpu.memory_space<vmem>>, %arg22: memref<128x512xf32, #tpu.memory_space<vmem>>, %arg23: memref<128x512xf32, #tpu.memory_space<vmem>>, %arg24: memref<1x128xf32, #tpu.memory_space<vmem>>, %arg25: memref<3200x64xbf16, #tpu.memory_space<vmem>>, %arg26: memref<200x128xf32, #tpu.memory_space<vmem>>, %arg27: memref<8x64xf32, #tpu.memory_space<vmem>>, %arg28: memref<8x64xf32, #tpu.memory_space<vmem>>, %arg29: memref<8x128xf32, #tpu.memory_space<vmem>>, %arg30: memref<8x128xf32, #tpu.memory_space<vmem>>) attributes {dimension_semantics = [#tpu.dimension_semantics<arbitrary>], iteration_bounds = array<i64: 50>, scalar_prefetch = 0 : i64, scratch_operands = 0 : i64, tpu.core_type = #tpu.core_type<tc>, window_params = [{transform_indices = @transform_0, window_bounds = array<i64: 200, 128>}, {transform_indices = @transform_1, window_bounds = array<i64: 3200, 128>}, {transform_indices = @transform_2, window_bounds = array<i64: 3200, 16>}, {transform_indices = @transform_3, window_bounds = array<i64: 3200, 4>}, {pipeline_mode = #tpu.pipeline_mode<synchronous>, transform_indices = @transform_4, window_bounds = array<i64: 128, 256>}, {pipeline_mode = #tpu.pipeline_mode<synchronous>, transform_indices = @transform_5, window_bounds = array<i64: 128, 256>}, {pipeline_mode = #tpu.pipeline_mode<synchronous>, transform_indices = @transform_6, window_bounds = array<i64: 1, 256>}, {pipeline_mode = #tpu.pipeline_mode<synchronous>, transform_indices = @transform_7, window_bounds = array<i64: 16, 416>}, {pipeline_mode = #tpu.pipeline_mode<synchronous>, transform_indices = @transform_8, window_bounds = array<i64: 1, 416>}, {pipeline_mode = #tpu.pipeline_mode<synchronous>, transform_indices = @transform_9, window_bounds = array<i64: 192, 384>}, {pipeline_mode = #tpu.pipeline_mode<synchronous>, transform_indices = @transform_10, window_bounds = array<i64: 1, 384>}, {pipeline_mode = #tpu.pipeline_mode<synchronous>, transform_indices = @transform_11, window_bounds = array<i64: 192, 384>}, {pipeline_mode = #tpu.pipeline_mode<synchronous>, transform_indices = @transform_12, window_bounds = array<i64: 1, 384>}, {pipeline_mode = #tpu.pipeline_mode<synchronous>, transform_indices = @transform_13, window_bounds = array<i64: 192, 384>}, {pipeline_mode = #tpu.pipeline_mode<synchronous>, transform_indices = @transform_14, window_bounds = array<i64: 1, 384>}, {pipeline_mode = #tpu.pipeline_mode<synchronous>, transform_indices = @transform_15, window_bounds = array<i64: 384, 64>}, {pipeline_mode = #tpu.pipeline_mode<synchronous>, transform_indices = @transform_16, window_bounds = array<i64: 64, 128>}, {pipeline_mode = #tpu.pipeline_mode<synchronous>, transform_indices = @transform_17, window_bounds = array<i64: 1, 128>}, {pipeline_mode = #tpu.pipeline_mode<synchronous>, transform_indices = @transform_18, window_bounds = array<i64: 32, 64>}, {pipeline_mode = #tpu.pipeline_mode<synchronous>, transform_indices = @transform_19, window_bounds = array<i64: 1, 64>}, {pipeline_mode = #tpu.pipeline_mode<synchronous>, transform_indices = @transform_20, window_bounds = array<i64: 64, 128>}, {pipeline_mode = #tpu.pipeline_mode<synchronous>, transform_indices = @transform_21, window_bounds = array<i64: 128, 512>}, {pipeline_mode = #tpu.pipeline_mode<synchronous>, transform_indices = @transform_22, window_bounds = array<i64: 128, 512>}, {pipeline_mode = #tpu.pipeline_mode<synchronous>, transform_indices = @transform_23, window_bounds = array<i64: 1, 128>}, {transform_indices = @transform_24, window_bounds = array<i64: 3200, 64>}, {transform_indices = @transform_25, window_bounds = array<i64: 200, 128>}, {pipeline_mode = #tpu.pipeline_mode<synchronous>, transform_indices = @transform_26, window_bounds = array<i64: 8, 64>}, {pipeline_mode = #tpu.pipeline_mode<synchronous>, transform_indices = @transform_27, window_bounds = array<i64: 8, 64>}, {pipeline_mode = #tpu.pipeline_mode<synchronous>, transform_indices = @transform_28, window_bounds = array<i64: 8, 128>}, {pipeline_mode = #tpu.pipeline_mode<synchronous>, transform_indices = @transform_29, window_bounds = array<i64: 8, 128>}]} {
    %get3A = arith.constant 0 : index
    %get3A_0 = arith.constant 0 : index
    %get3A_1 = vector.load %arg1[%get3A, %get3A_0] : memref<200x128xf32, #tpu.memory_space<vmem>>, vector<200x128xf32>
    %get3A_2 = arith.constant 0 : index
    %get3A_3 = arith.constant 0 : index
    %get3A_4 = vector.load %arg5[%get3A_2, %get3A_3] : memref<128x256xf32, #tpu.memory_space<vmem>>, vector<128x256xf32>
    %dot_general3A = arith.constant dense<0.000000e+00> : vector<200x256xf32>
    %dot_general3A_5 = tpu.matmul %get3A_1, %get3A_4, %dot_general3A {dimension_numbers = #tpu.dot_dimension_numbers<[1], [0], [0], [1], [0, 0, 1, 1], [], []>, transpose_lhs_hint = false} : vector<200x128xf32>, vector<128x256xf32>, vector<200x256xf32> -> vector<200x256xf32>
    %get3A_6 = arith.constant 0 : index
    %get3A_7 = arith.constant 0 : index
    %get3A_8 = vector.load %arg2[%get3A_6, %get3A_7] : memref<3200x128xf32, #tpu.memory_space<vmem>>, vector<3200x128xf32>
    %get3A_9 = arith.constant 0 : index
    %get3A_10 = arith.constant 0 : index
    %get3A_11 = vector.load %arg6[%get3A_9, %get3A_10] : memref<128x256xf32, #tpu.memory_space<vmem>>, vector<128x256xf32>
    %dot_general3A_12 = arith.constant dense<0.000000e+00> : vector<3200x256xf32>
    %dot_general3A_13 = tpu.matmul %get3A_8, %get3A_11, %dot_general3A_12 {dimension_numbers = #tpu.dot_dimension_numbers<[1], [0], [0], [1], [0, 0, 1, 1], [], []>, transpose_lhs_hint = false} : vector<3200x128xf32>, vector<128x256xf32>, vector<3200x256xf32> -> vector<3200x256xf32>
    %reshape3A = vector.shape_cast %dot_general3A_13 : vector<3200x256xf32> to vector<200x16x256xf32>
    %broadcast_in_dim3A = vector.shape_cast %dot_general3A_5 : vector<200x256xf32> to vector<200x1x256xf32>
    %add3A = vector.broadcast %broadcast_in_dim3A : vector<200x1x256xf32> to vector<200x16x256xf32>
    %add3A_14 = arith.addf %reshape3A, %add3A : vector<200x16x256xf32>
    %reshape3A_15 = vector.shape_cast %add3A_14 : vector<200x16x256xf32> to vector<3200x256xf32>
    %get3A_16 = arith.constant 0 : index
    %get3A_17 = arith.constant 0 : index
    %get3A_18 = vector.load %arg7[%get3A_16, %get3A_17] : memref<1x256xf32, #tpu.memory_space<vmem>>, vector<1x256xf32>
    %add3A_19 = vector.broadcast %get3A_18 : vector<1x256xf32> to vector<3200x256xf32>
    %add3A_20 = arith.addf %reshape3A_15, %add3A_19 : vector<3200x256xf32>
    %max3A = arith.constant 0.000000e+00 : f32
    %max3A_21 = vector.broadcast %max3A : f32 to vector<3200x256xf32>
    %max3A_22 = arith.maximumf %add3A_20, %max3A_21 : vector<3200x256xf32>
    %get3A_23 = arith.constant 0 : index
    %get3A_24 = arith.constant 0 : index
    %get3A_25 = vector.load %arg3[%get3A_23, %get3A_24] : memref<3200x16xf32, #tpu.memory_space<vmem>>, vector<3200x16xf32>
    %get3A_26 = arith.constant 0 : index
    %get3A_27 = arith.constant 0 : index
    %get3A_28 = vector.load %arg8[%get3A_26, %get3A_27] : memref<16x416xf32, #tpu.memory_space<vmem>>, vector<16x416xf32>
    %dot_general3A_29 = arith.constant dense<0.000000e+00> : vector<3200x416xf32>
    %dot_general3A_30 = tpu.matmul %get3A_25, %get3A_28, %dot_general3A_29 {dimension_numbers = #tpu.dot_dimension_numbers<[1], [0], [0], [1], [0, 0, 1, 1], [], []>, transpose_lhs_hint = false} : vector<3200x16xf32>, vector<16x416xf32>, vector<3200x416xf32> -> vector<3200x416xf32>
    %get3A_31 = arith.constant 0 : index
    %get3A_32 = arith.constant 0 : index
    %get3A_33 = vector.load %arg9[%get3A_31, %get3A_32] : memref<1x416xf32, #tpu.memory_space<vmem>>, vector<1x416xf32>
    %add3A_34 = vector.broadcast %get3A_33 : vector<1x416xf32> to vector<3200x416xf32>
    %add3A_35 = arith.addf %dot_general3A_30, %add3A_34 : vector<3200x416xf32>
    %max3A_36 = arith.constant 0.000000e+00 : f32
    %max3A_37 = vector.broadcast %max3A_36 : f32 to vector<3200x416xf32>
    %max3A_38 = arith.maximumf %add3A_35, %max3A_37 : vector<3200x416xf32>
    %slice3A = vector.extract_strided_slice %max3A_22 {offsets = [0, 0], sizes = [3200, 192], strides = [1, 1]} : vector<3200x256xf32> to vector<3200x192xf32>
    %get3A_39 = arith.constant 0 : index
    %get3A_40 = arith.constant 0 : index
    %get3A_41 = vector.load %arg10[%get3A_39, %get3A_40] : memref<192x384xf32, #tpu.memory_space<vmem>>, vector<192x384xf32>
    %dot_general3A_42 = arith.constant dense<0.000000e+00> : vector<3200x384xf32>
    %dot_general3A_43 = tpu.matmul %slice3A, %get3A_41, %dot_general3A_42 {dimension_numbers = #tpu.dot_dimension_numbers<[1], [0], [0], [1], [0, 0, 1, 1], [], []>, transpose_lhs_hint = false} : vector<3200x192xf32>, vector<192x384xf32>, vector<3200x384xf32> -> vector<3200x384xf32>
    %get3A_44 = arith.constant 0 : index
    %get3A_45 = arith.constant 0 : index
    %get3A_46 = vector.load %arg11[%get3A_44, %get3A_45] : memref<1x384xf32, #tpu.memory_space<vmem>>, vector<1x384xf32>
    %add3A_47 = vector.broadcast %get3A_46 : vector<1x384xf32> to vector<3200x384xf32>
    %add3A_48 = arith.addf %dot_general3A_43, %add3A_47 : vector<3200x384xf32>
    %slice3A_49 = vector.extract_strided_slice %max3A_38 {offsets = [0, 0], sizes = [3200, 192], strides = [1, 1]} : vector<3200x416xf32> to vector<3200x192xf32>
    %get3A_50 = arith.constant 0 : index
    %get3A_51 = arith.constant 0 : index
    %get3A_52 = vector.load %arg12[%get3A_50, %get3A_51] : memref<192x384xf32, #tpu.memory_space<vmem>>, vector<192x384xf32>
    %dot_general3A_53 = arith.constant dense<0.000000e+00> : vector<3200x384xf32>
    %dot_general3A_54 = tpu.matmul %slice3A_49, %get3A_52, %dot_general3A_53 {dimension_numbers = #tpu.dot_dimension_numbers<[1], [0], [0], [1], [0, 0, 1, 1], [], []>, transpose_lhs_hint = false} : vector<3200x192xf32>, vector<192x384xf32>, vector<3200x384xf32> -> vector<3200x384xf32>
    %get3A_55 = arith.constant 0 : index
    %get3A_56 = arith.constant 0 : index
    %get3A_57 = vector.load %arg13[%get3A_55, %get3A_56] : memref<1x384xf32, #tpu.memory_space<vmem>>, vector<1x384xf32>
    %add3A_58 = vector.broadcast %get3A_57 : vector<1x384xf32> to vector<3200x384xf32>
    %add3A_59 = arith.addf %dot_general3A_54, %add3A_58 : vector<3200x384xf32>
    %slice3A_60 = vector.extract_strided_slice %max3A_38 {offsets = [0, 192], sizes = [3200, 192], strides = [1, 1]} : vector<3200x416xf32> to vector<3200x192xf32>
    %get3A_61 = arith.constant 0 : index
    %get3A_62 = arith.constant 0 : index
    %get3A_63 = vector.load %arg14[%get3A_61, %get3A_62] : memref<192x384xf32, #tpu.memory_space<vmem>>, vector<192x384xf32>
    %dot_general3A_64 = arith.constant dense<0.000000e+00> : vector<3200x384xf32>
    %dot_general3A_65 = tpu.matmul %slice3A_60, %get3A_63, %dot_general3A_64 {dimension_numbers = #tpu.dot_dimension_numbers<[1], [0], [0], [1], [0, 0, 1, 1], [], []>, transpose_lhs_hint = false} : vector<3200x192xf32>, vector<192x384xf32>, vector<3200x384xf32> -> vector<3200x384xf32>
    %get3A_66 = arith.constant 0 : index
    %get3A_67 = arith.constant 0 : index
    %get3A_68 = vector.load %arg15[%get3A_66, %get3A_67] : memref<1x384xf32, #tpu.memory_space<vmem>>, vector<1x384xf32>
    %add3A_69 = vector.broadcast %get3A_68 : vector<1x384xf32> to vector<3200x384xf32>
    %add3A_70 = arith.addf %dot_general3A_65, %add3A_69 : vector<3200x384xf32>
    %mul3A = arith.mulf %add3A_48, %add3A_70 : vector<3200x384xf32>
    %add3A_71 = arith.addf %add3A_59, %mul3A : vector<3200x384xf32>
    %get3A_72 = arith.constant 0 : index
    %get3A_73 = arith.constant 0 : index
    %get3A_74 = vector.load %arg16[%get3A_72, %get3A_73] : memref<384x64xf32, #tpu.memory_space<vmem>>, vector<384x64xf32>
    %dot_general3A_75 = arith.constant dense<0.000000e+00> : vector<3200x64xf32>
    %dot_general3A_76 = tpu.matmul %add3A_71, %get3A_74, %dot_general3A_75 {dimension_numbers = #tpu.dot_dimension_numbers<[1], [0], [0], [1], [0, 0, 1, 1], [], []>, transpose_lhs_hint = false} : vector<3200x384xf32>, vector<384x64xf32>, vector<3200x64xf32> -> vector<3200x64xf32>
    %convert_element_type3A = arith.truncf %dot_general3A_76 : vector<3200x64xf32> to vector<3200x64xbf16>
    %swap3A = arith.constant 0 : index
    %swap3A_77 = arith.constant 0 : index
    %swap3A_78 = vector.load %arg25[%swap3A, %swap3A_77] : memref<3200x64xbf16, #tpu.memory_space<vmem>>, vector<3200x64xbf16>
    tpu.vector_store %arg25[%swap3A, %swap3A_77], %convert_element_type3A {strides = array<i32>} : memref<3200x64xbf16, #tpu.memory_space<vmem>>, vector<3200x64xbf16>,
    %slice3A_79 = vector.extract_strided_slice %max3A_22 {offsets = [0, 192], sizes = [3200, 64], strides = [1, 1]} : vector<3200x256xf32> to vector<3200x64xf32>
    %get3A_80 = arith.constant 0 : index
    %get3A_81 = arith.constant 0 : index
    %get3A_82 = vector.load %arg17[%get3A_80, %get3A_81] : memref<64x128xf32, #tpu.memory_space<vmem>>, vector<64x128xf32>
    %dot_general3A_83 = arith.constant dense<0.000000e+00> : vector<3200x128xf32>
    %dot_general3A_84 = tpu.matmul %slice3A_79, %get3A_82, %dot_general3A_83 {dimension_numbers = #tpu.dot_dimension_numbers<[1], [0], [0], [1], [0, 0, 1, 1], [], []>, transpose_lhs_hint = false} : vector<3200x64xf32>, vector<64x128xf32>, vector<3200x128xf32> -> vector<3200x128xf32>
    %get3A_85 = arith.constant 0 : index
    %get3A_86 = arith.constant 0 : index
    %get3A_87 = vector.load %arg18[%get3A_85, %get3A_86] : memref<1x128xf32, #tpu.memory_space<vmem>>, vector<1x128xf32>
    %add3A_88 = vector.broadcast %get3A_87 : vector<1x128xf32> to vector<3200x128xf32>
    %add3A_89 = arith.addf %dot_general3A_84, %add3A_88 : vector<3200x128xf32>
    %slice3A_90 = vector.extract_strided_slice %max3A_38 {offsets = [0, 384], sizes = [3200, 32], strides = [1, 1]} : vector<3200x416xf32> to vector<3200x32xf32>
    %get3A_91 = arith.constant 0 : index
    %get3A_92 = arith.constant 0 : index
    %get3A_93 = vector.load %arg19[%get3A_91, %get3A_92] : memref<32x64xf32, #tpu.memory_space<vmem>>, vector<32x64xf32>
    %dot_general3A_94 = arith.constant dense<0.000000e+00> : vector<3200x64xf32>
    %dot_general3A_95 = tpu.matmul %slice3A_90, %get3A_93, %dot_general3A_94 {dimension_numbers = #tpu.dot_dimension_numbers<[1], [0], [0], [1], [0, 0, 1, 1], [], []>, transpose_lhs_hint = false} : vector<3200x32xf32>, vector<32x64xf32>, vector<3200x64xf32> -> vector<3200x64xf32>
    %get3A_96 = arith.constant 0 : index
    %get3A_97 = arith.constant 0 : index
    %get3A_98 = vector.load %arg20[%get3A_96, %get3A_97] : memref<1x64xf32, #tpu.memory_space<vmem>>, vector<1x64xf32>
    %add3A_99 = vector.broadcast %get3A_98 : vector<1x64xf32> to vector<3200x64xf32>
    %add3A_100 = arith.addf %dot_general3A_95, %add3A_99 : vector<3200x64xf32>
    %get3A_101 = arith.constant 0 : index
    %get3A_102 = arith.constant 0 : index
    %get3A_103 = vector.load %arg21[%get3A_101, %get3A_102] : memref<64x128xf32, #tpu.memory_space<vmem>>, vector<64x128xf32>
    %dot_general3A_104 = arith.constant dense<0.000000e+00> : vector<3200x128xf32>
    %dot_general3A_105 = tpu.matmul %add3A_100, %get3A_103, %dot_general3A_104 {dimension_numbers = #tpu.dot_dimension_numbers<[1], [0], [0], [1], [0, 0, 1, 1], [], []>, transpose_lhs_hint = false} : vector<3200x64xf32>, vector<64x128xf32>, vector<3200x128xf32> -> vector<3200x128xf32>
    %mul3A_106 = arith.mulf %add3A_89, %dot_general3A_105 : vector<3200x128xf32>
    %get3A_107 = arith.constant 0 : index
    %get3A_108 = arith.constant 0 : index
    %get3A_109 = vector.load %arg22[%get3A_107, %get3A_108] : memref<128x512xf32, #tpu.memory_space<vmem>>, vector<128x512xf32>
    %dot_general3A_110 = arith.constant dense<0.000000e+00> : vector<3200x512xf32>
    %dot_general3A_111 = tpu.matmul %mul3A_106, %get3A_109, %dot_general3A_110 {dimension_numbers = #tpu.dot_dimension_numbers<[1], [0], [0], [1], [0, 0, 1, 1], [], []>, transpose_lhs_hint = false} : vector<3200x128xf32>, vector<128x512xf32>, vector<3200x512xf32> -> vector<3200x512xf32>
    %get3A_112 = arith.constant 0 : index
    %get3A_113 = arith.constant 0 : index
    %get3A_114 = vector.load %arg1[%get3A_112, %get3A_113] : memref<200x128xf32, #tpu.memory_space<vmem>>, vector<200x128xf32>
    %get3A_115 = arith.constant 0 : index
    %get3A_116 = arith.constant 0 : index
    %get3A_117 = vector.load %arg23[%get3A_115, %get3A_116] : memref<128x512xf32, #tpu.memory_space<vmem>>, vector<128x512xf32>
    %dot_general3A_118 = arith.constant dense<0.000000e+00> : vector<200x512xf32>
    %dot_general3A_119 = tpu.matmul %get3A_114, %get3A_117, %dot_general3A_118 {dimension_numbers = #tpu.dot_dimension_numbers<[1], [0], [0], [1], [0, 0, 1, 1], [], []>, transpose_lhs_hint = false} : vector<200x128xf32>, vector<128x512xf32>, vector<200x512xf32> -> vector<200x512xf32>
    %reshape3A_120 = vector.shape_cast %dot_general3A_111 : vector<3200x512xf32> to vector<200x16x512xf32>
    %broadcast_in_dim3A_121 = vector.shape_cast %dot_general3A_119 : vector<200x512xf32> to vector<200x1x512xf32>
    %add3A_122 = vector.broadcast %broadcast_in_dim3A_121 : vector<200x1x512xf32> to vector<200x16x512xf32>
    %add3A_123 = arith.addf %reshape3A_120, %add3A_122 : vector<200x16x512xf32>
    %reshape3A_124 = vector.shape_cast %add3A_123 : vector<200x16x512xf32> to vector<3200x512xf32>
    %get3A_125 = arith.constant 0 : index
    %get3A_126 = arith.constant 0 : index
    %get3A_127 = vector.load %arg4[%get3A_125, %get3A_126] : memref<3200x4xf32, #tpu.memory_space<vmem>>, vector<3200x4xf32>
    %slice3A_128 = vector.extract_strided_slice %reshape3A_124 {offsets = [0, 0], sizes = [3200, 128], strides = [1, 1]} : vector<3200x512xf32> to vector<3200x128xf32>
    %slice3A_129 = vector.extract_strided_slice %get3A_127 {offsets = [0, 0], sizes = [3200, 1], strides = [1, 1]} : vector<3200x4xf32> to vector<3200x1xf32>
    %mul3A_130 = vector.broadcast %slice3A_129 : vector<3200x1xf32> to vector<3200x128xf32>
    %mul3A_131 = arith.mulf %slice3A_128, %mul3A_130 : vector<3200x128xf32>
    %slice3A_132 = vector.extract_strided_slice %reshape3A_124 {offsets = [0, 128], sizes = [3200, 128], strides = [1, 1]} : vector<3200x512xf32> to vector<3200x128xf32>
    %slice3A_133 = vector.extract_strided_slice %get3A_127 {offsets = [0, 1], sizes = [3200, 1], strides = [1, 1]} : vector<3200x4xf32> to vector<3200x1xf32>
    %mul3A_134 = vector.broadcast %slice3A_133 : vector<3200x1xf32> to vector<3200x128xf32>
    %mul3A_135 = arith.mulf %slice3A_132, %mul3A_134 : vector<3200x128xf32>
    %add3A_136 = arith.addf %mul3A_131, %mul3A_135 : vector<3200x128xf32>
    %slice3A_137 = vector.extract_strided_slice %reshape3A_124 {offsets = [0, 256], sizes = [3200, 128], strides = [1, 1]} : vector<3200x512xf32> to vector<3200x128xf32>
    %slice3A_138 = vector.extract_strided_slice %get3A_127 {offsets = [0, 2], sizes = [3200, 1], strides = [1, 1]} : vector<3200x4xf32> to vector<3200x1xf32>
    %mul3A_139 = vector.broadcast %slice3A_138 : vector<3200x1xf32> to vector<3200x128xf32>
    %mul3A_140 = arith.mulf %slice3A_137, %mul3A_139 : vector<3200x128xf32>
    %add3A_141 = arith.addf %add3A_136, %mul3A_140 : vector<3200x128xf32>
    %slice3A_142 = vector.extract_strided_slice %reshape3A_124 {offsets = [0, 384], sizes = [3200, 128], strides = [1, 1]} : vector<3200x512xf32> to vector<3200x128xf32>
    %slice3A_143 = vector.extract_strided_slice %get3A_127 {offsets = [0, 3], sizes = [3200, 1], strides = [1, 1]} : vector<3200x4xf32> to vector<3200x1xf32>
    %mul3A_144 = vector.broadcast %slice3A_143 : vector<3200x1xf32> to vector<3200x128xf32>
    %mul3A_145 = arith.mulf %slice3A_142, %mul3A_144 : vector<3200x128xf32>
    %add3A_146 = arith.addf %add3A_141, %mul3A_145 : vector<3200x128xf32>
    %reshape3A_147 = vector.shape_cast %add3A_146 : vector<3200x128xf32> to vector<200x16x128xf32>
    %reduce_max3A = arith.constant dense<0xFF800000> : vector<200x128xf32>
    %reduce_max3A_148 = vector.multi_reduction <maximumf>, %reshape3A_147, %reduce_max3A [1] : vector<200x16x128xf32> to vector<200x128xf32>
    %get3A_149 = arith.constant 0 : index
    %get3A_150 = arith.constant 0 : index
    %get3A_151 = vector.load %arg24[%get3A_149, %get3A_150] : memref<1x128xf32, #tpu.memory_space<vmem>>, vector<1x128xf32>
    %add3A_152 = vector.broadcast %get3A_151 : vector<1x128xf32> to vector<200x128xf32>
    %add3A_153 = arith.addf %reduce_max3A_148, %add3A_152 : vector<200x128xf32>
    %swap3A_154 = arith.constant 0 : index
    %swap3A_155 = arith.constant 0 : index
    %swap3A_156 = vector.load %arg26[%swap3A_154, %swap3A_155] : memref<200x128xf32, #tpu.memory_space<vmem>>, vector<200x128xf32>
    tpu.vector_store %arg26[%swap3A_154, %swap3A_155], %add3A_153 {strides = array<i32>} : memref<200x128xf32, #tpu.memory_space<vmem>>, vector<200x128xf32>,
    %eq3A = arith.constant 0 : i32
    %eq3A_157 = arith.cmpi eq, %arg0, %eq3A : i32
    %convert_element_type3A_158 = arith.extui %eq3A_157 : i1 to i32
    %cond3A = arith.constant 0 : i32
    %cond3A_159 = arith.cmpi ne, %convert_element_type3A_158, %cond3A : i32
    scf.if %cond3A_159 {
      %broadcast_in_dim3A_206 = arith.constant 0.000000e+00 : f32
      %broadcast_in_dim3A_207 = vector.broadcast %broadcast_in_dim3A_206 : f32 to vector<8x64xf32>
      %swap3A_208 = arith.constant 0 : index
      %swap3A_209 = arith.constant 0 : index
      %swap3A_210 = vector.load %arg27[%swap3A_208, %swap3A_209] : memref<8x64xf32, #tpu.memory_space<vmem>>, vector<8x64xf32>
      tpu.vector_store %arg27[%swap3A_208, %swap3A_209], %broadcast_in_dim3A_207 {strides = array<i32>} : memref<8x64xf32, #tpu.memory_space<vmem>>, vector<8x64xf32>,
      %broadcast_in_dim3A_211 = arith.constant 0.000000e+00 : f32
      %broadcast_in_dim3A_212 = vector.broadcast %broadcast_in_dim3A_211 : f32 to vector<8x64xf32>
      %swap3A_213 = arith.constant 0 : index
      %swap3A_214 = arith.constant 0 : index
      %swap3A_215 = vector.load %arg28[%swap3A_213, %swap3A_214] : memref<8x64xf32, #tpu.memory_space<vmem>>, vector<8x64xf32>
      tpu.vector_store %arg28[%swap3A_213, %swap3A_214], %broadcast_in_dim3A_212 {strides = array<i32>} : memref<8x64xf32, #tpu.memory_space<vmem>>, vector<8x64xf32>,
      %broadcast_in_dim3A_216 = arith.constant 0.000000e+00 : f32
      %broadcast_in_dim3A_217 = vector.broadcast %broadcast_in_dim3A_216 : f32 to vector<8x128xf32>
      %swap3A_218 = arith.constant 0 : index
      %swap3A_219 = arith.constant 0 : index
      %swap3A_220 = vector.load %arg29[%swap3A_218, %swap3A_219] : memref<8x128xf32, #tpu.memory_space<vmem>>, vector<8x128xf32>
      tpu.vector_store %arg29[%swap3A_218, %swap3A_219], %broadcast_in_dim3A_217 {strides = array<i32>} : memref<8x128xf32, #tpu.memory_space<vmem>>, vector<8x128xf32>,
      %broadcast_in_dim3A_221 = arith.constant 0.000000e+00 : f32
      %broadcast_in_dim3A_222 = vector.broadcast %broadcast_in_dim3A_221 : f32 to vector<8x128xf32>
      %swap3A_223 = arith.constant 0 : index
      %swap3A_224 = arith.constant 0 : index
      %swap3A_225 = vector.load %arg30[%swap3A_223, %swap3A_224] : memref<8x128xf32, #tpu.memory_space<vmem>>, vector<8x128xf32>
      tpu.vector_store %arg30[%swap3A_223, %swap3A_224], %broadcast_in_dim3A_222 {strides = array<i32>} : memref<8x128xf32, #tpu.memory_space<vmem>>, vector<8x128xf32>,
    } else {
    }
    %get3A_160 = arith.constant 0 : index
    %get3A_161 = arith.constant 0 : index
    %get3A_162 = vector.load %arg27[%get3A_160, %get3A_161] : memref<8x64xf32, #tpu.memory_space<vmem>>, vector<8x64xf32>
    %broadcast_in_dim3A_163 = arith.constant 1.000000e+00 : f32
    %broadcast_in_dim3A_164 = vector.broadcast %broadcast_in_dim3A_163 : f32 to vector<8x3200xf32>
    %dot_general3A_165 = arith.constant dense<0.000000e+00> : vector<8x64xf32>
    %dot_general3A_166 = tpu.matmul %broadcast_in_dim3A_164, %dot_general3A_76, %dot_general3A_165 {dimension_numbers = #tpu.dot_dimension_numbers<[1], [0], [0], [1], [0, 0, 1, 1], [], []>, transpose_lhs_hint = false} : vector<8x3200xf32>, vector<3200x64xf32>, vector<8x64xf32> -> vector<8x64xf32>
    %add3A_167 = arith.addf %get3A_162, %dot_general3A_166 : vector<8x64xf32>
    %swap3A_168 = arith.constant 0 : index
    %swap3A_169 = arith.constant 0 : index
    %swap3A_170 = vector.load %arg27[%swap3A_168, %swap3A_169] : memref<8x64xf32, #tpu.memory_space<vmem>>, vector<8x64xf32>
    tpu.vector_store %arg27[%swap3A_168, %swap3A_169], %add3A_167 {strides = array<i32>} : memref<8x64xf32, #tpu.memory_space<vmem>>, vector<8x64xf32>,
    %get3A_171 = arith.constant 0 : index
    %get3A_172 = arith.constant 0 : index
    %get3A_173 = vector.load %arg28[%get3A_171, %get3A_172] : memref<8x64xf32, #tpu.memory_space<vmem>>, vector<8x64xf32>
    %mul3A_174 = arith.mulf %dot_general3A_76, %dot_general3A_76 : vector<3200x64xf32>
    %broadcast_in_dim3A_175 = arith.constant 1.000000e+00 : f32
    %broadcast_in_dim3A_176 = vector.broadcast %broadcast_in_dim3A_175 : f32 to vector<8x3200xf32>
    %dot_general3A_177 = arith.constant dense<0.000000e+00> : vector<8x64xf32>
    %dot_general3A_178 = tpu.matmul %broadcast_in_dim3A_176, %mul3A_174, %dot_general3A_177 {dimension_numbers = #tpu.dot_dimension_numbers<[1], [0], [0], [1], [0, 0, 1, 1], [], []>, transpose_lhs_hint = false} : vector<8x3200xf32>, vector<3200x64xf32>, vector<8x64xf32> -> vector<8x64xf32>
    %add3A_179 = arith.addf %get3A_173, %dot_general3A_178 : vector<8x64xf32>
    %swap3A_180 = arith.constant 0 : index
    %swap3A_181 = arith.constant 0 : index
    %swap3A_182 = vector.load %arg28[%swap3A_180, %swap3A_181] : memref<8x64xf32, #tpu.memory_space<vmem>>, vector<8x64xf32>
    tpu.vector_store %arg28[%swap3A_180, %swap3A_181], %add3A_179 {strides = array<i32>} : memref<8x64xf32, #tpu.memory_space<vmem>>, vector<8x64xf32>,
    %get3A_183 = arith.constant 0 : index
    %get3A_184 = arith.constant 0 : index
    %get3A_185 = vector.load %arg29[%get3A_183, %get3A_184] : memref<8x128xf32, #tpu.memory_space<vmem>>, vector<8x128xf32>
    %broadcast_in_dim3A_186 = arith.constant 1.000000e+00 : f32
    %broadcast_in_dim3A_187 = vector.broadcast %broadcast_in_dim3A_186 : f32 to vector<8x200xf32>
    %dot_general3A_188 = arith.constant dense<0.000000e+00> : vector<8x128xf32>
    %dot_general3A_189 = tpu.matmul %broadcast_in_dim3A_187, %add3A_153, %dot_general3A_188 {dimension_numbers = #tpu.dot_dimension_numbers<[1], [0], [0], [1], [0, 0, 1, 1], [], []>, transpose_lhs_hint = false} : vector<8x200xf32>, vector<200x128xf32>, vector<8x128xf32> -> vector<8x128xf32>
    %add3A_190 = arith.addf %get3A_185, %dot_general3A_189 : vector<8x128xf32>
    %swap3A_191 = arith.constant 0 : index
    %swap3A_192 = arith.constant 0 : index
    %swap3A_193 = vector.load %arg29[%swap3A_191, %swap3A_192] : memref<8x128xf32, #tpu.memory_space<vmem>>, vector<8x128xf32>
    tpu.vector_store %arg29[%swap3A_191, %swap3A_192], %add3A_190 {strides = array<i32>} : memref<8x128xf32, #tpu.memory_space<vmem>>, vector<8x128xf32>,
    %get3A_194 = arith.constant 0 : index
    %get3A_195 = arith.constant 0 : index
    %get3A_196 = vector.load %arg30[%get3A_194, %get3A_195] : memref<8x128xf32, #tpu.memory_space<vmem>>, vector<8x128xf32>
    %mul3A_197 = arith.mulf %add3A_153, %add3A_153 : vector<200x128xf32>
    %broadcast_in_dim3A_198 = arith.constant 1.000000e+00 : f32
    %broadcast_in_dim3A_199 = vector.broadcast %broadcast_in_dim3A_198 : f32 to vector<8x200xf32>
    %dot_general3A_200 = arith.constant dense<0.000000e+00> : vector<8x128xf32>
    %dot_general3A_201 = tpu.matmul %broadcast_in_dim3A_199, %mul3A_197, %dot_general3A_200 {dimension_numbers = #tpu.dot_dimension_numbers<[1], [0], [0], [1], [0, 0, 1, 1], [], []>, transpose_lhs_hint = false} : vector<8x200xf32>, vector<200x128xf32>, vector<8x128xf32> -> vector<8x128xf32>
    %add3A_202 = arith.addf %get3A_196, %dot_general3A_201 : vector<8x128xf32>
    %swap3A_203 = arith.constant 0 : index
    %swap3A_204 = arith.constant 0 : index
    %swap3A_205 = vector.load %arg30[%swap3A_203, %swap3A_204] : memref<8x128xf32, #tpu.memory_space<vmem>>, vector<8x128xf32>
    tpu.vector_store %arg30[%swap3A_203, %swap3A_204], %add3A_202 {strides = array<i32>} : memref<8x128xf32, #tpu.memory_space<vmem>>, vector<8x128xf32>,
    return
  }
  func.func @transform_0(%arg0: i32) -> (i32, i32) {
    %c0_i32 = arith.constant 0 : i32
    %c0_i32_0 = arith.constant 0 : i32
    return %arg0, %c0_i32 : i32, i32
  }
  func.func @transform_1(%arg0: i32) -> (i32, i32) {
    %c0_i32 = arith.constant 0 : i32
    %c0_i32_0 = arith.constant 0 : i32
    return %arg0, %c0_i32 : i32, i32
  }
  func.func @transform_2(%arg0: i32) -> (i32, i32) {
    %c0_i32 = arith.constant 0 : i32
    %c0_i32_0 = arith.constant 0 : i32
    return %arg0, %c0_i32 : i32, i32
  }
  func.func @transform_3(%arg0: i32) -> (i32, i32) {
    %c0_i32 = arith.constant 0 : i32
    %c0_i32_0 = arith.constant 0 : i32
    return %arg0, %c0_i32 : i32, i32
  }
  func.func @transform_4(%arg0: i32) -> (i32, i32) {
    %c0_i32 = arith.constant 0 : i32
    %c0_i32_0 = arith.constant 0 : i32
    %c0_i32_1 = arith.constant 0 : i32
    return %c0_i32, %c0_i32_0 : i32, i32
  }
  func.func @transform_5(%arg0: i32) -> (i32, i32) {
    %c0_i32 = arith.constant 0 : i32
    %c0_i32_0 = arith.constant 0 : i32
    %c0_i32_1 = arith.constant 0 : i32
    return %c0_i32, %c0_i32_0 : i32, i32
  }
  func.func @transform_6(%arg0: i32) -> (i32, i32) {
    %c0_i32 = arith.constant 0 : i32
    %c0_i32_0 = arith.constant 0 : i32
    %c0_i32_1 = arith.constant 0 : i32
    return %c0_i32, %c0_i32_0 : i32, i32
  }
  func.func @transform_7(%arg0: i32) -> (i32, i32) {
    %c0_i32 = arith.constant 0 : i32
    %c0_i32_0 = arith.constant 0 : i32
    %c0_i32_1 = arith.constant 0 : i32
    return %c0_i32, %c0_i32_0 : i32, i32
  }
  func.func @transform_8(%arg0: i32) -> (i32, i32) {
    %c0_i32 = arith.constant 0 : i32
    %c0_i32_0 = arith.constant 0 : i32
    %c0_i32_1 = arith.constant 0 : i32
    return %c0_i32, %c0_i32_0 : i32, i32
  }
  func.func @transform_9(%arg0: i32) -> (i32, i32) {
    %c0_i32 = arith.constant 0 : i32
    %c0_i32_0 = arith.constant 0 : i32
    %c0_i32_1 = arith.constant 0 : i32
    return %c0_i32, %c0_i32_0 : i32, i32
  }
  func.func @transform_10(%arg0: i32) -> (i32, i32) {
    %c0_i32 = arith.constant 0 : i32
    %c0_i32_0 = arith.constant 0 : i32
    %c0_i32_1 = arith.constant 0 : i32
    return %c0_i32, %c0_i32_0 : i32, i32
  }
  func.func @transform_11(%arg0: i32) -> (i32, i32) {
    %c0_i32 = arith.constant 0 : i32
    %c0_i32_0 = arith.constant 0 : i32
    %c0_i32_1 = arith.constant 0 : i32
    return %c0_i32, %c0_i32_0 : i32, i32
  }
  func.func @transform_12(%arg0: i32) -> (i32, i32) {
    %c0_i32 = arith.constant 0 : i32
    %c0_i32_0 = arith.constant 0 : i32
    %c0_i32_1 = arith.constant 0 : i32
    return %c0_i32, %c0_i32_0 : i32, i32
  }
  func.func @transform_13(%arg0: i32) -> (i32, i32) {
    %c0_i32 = arith.constant 0 : i32
    %c0_i32_0 = arith.constant 0 : i32
    %c0_i32_1 = arith.constant 0 : i32
    return %c0_i32, %c0_i32_0 : i32, i32
  }
  func.func @transform_14(%arg0: i32) -> (i32, i32) {
    %c0_i32 = arith.constant 0 : i32
    %c0_i32_0 = arith.constant 0 : i32
    %c0_i32_1 = arith.constant 0 : i32
    return %c0_i32, %c0_i32_0 : i32, i32
  }
  func.func @transform_15(%arg0: i32) -> (i32, i32) {
    %c0_i32 = arith.constant 0 : i32
    %c0_i32_0 = arith.constant 0 : i32
    %c0_i32_1 = arith.constant 0 : i32
    return %c0_i32, %c0_i32_0 : i32, i32
  }
  func.func @transform_16(%arg0: i32) -> (i32, i32) {
    %c0_i32 = arith.constant 0 : i32
    %c0_i32_0 = arith.constant 0 : i32
    %c0_i32_1 = arith.constant 0 : i32
    return %c0_i32, %c0_i32_0 : i32, i32
  }
  func.func @transform_17(%arg0: i32) -> (i32, i32) {
    %c0_i32 = arith.constant 0 : i32
    %c0_i32_0 = arith.constant 0 : i32
    %c0_i32_1 = arith.constant 0 : i32
    return %c0_i32, %c0_i32_0 : i32, i32
  }
  func.func @transform_18(%arg0: i32) -> (i32, i32) {
    %c0_i32 = arith.constant 0 : i32
    %c0_i32_0 = arith.constant 0 : i32
    %c0_i32_1 = arith.constant 0 : i32
    return %c0_i32, %c0_i32_0 : i32, i32
  }
  func.func @transform_19(%arg0: i32) -> (i32, i32) {
    %c0_i32 = arith.constant 0 : i32
    %c0_i32_0 = arith.constant 0 : i32
    %c0_i32_1 = arith.constant 0 : i32
    return %c0_i32, %c0_i32_0 : i32, i32
  }
  func.func @transform_20(%arg0: i32) -> (i32, i32) {
    %c0_i32 = arith.constant 0 : i32
    %c0_i32_0 = arith.constant 0 : i32
    %c0_i32_1 = arith.constant 0 : i32
    return %c0_i32, %c0_i32_0 : i32, i32
  }
  func.func @transform_21(%arg0: i32) -> (i32, i32) {
    %c0_i32 = arith.constant 0 : i32
    %c0_i32_0 = arith.constant 0 : i32
    %c0_i32_1 = arith.constant 0 : i32
    return %c0_i32, %c0_i32_0 : i32, i32
  }
  func.func @transform_22(%arg0: i32) -> (i32, i32) {
    %c0_i32 = arith.constant 0 : i32
    %c0_i32_0 = arith.constant 0 : i32
    %c0_i32_1 = arith.constant 0 : i32
    return %c0_i32, %c0_i32_0 : i32, i32
  }
  func.func @transform_23(%arg0: i32) -> (i32, i32) {
    %c0_i32 = arith.constant 0 : i32
    %c0_i32_0 = arith.constant 0 : i32
    %c0_i32_1 = arith.constant 0 : i32
    return %c0_i32, %c0_i32_0 : i32, i32
  }
  func.func @transform_24(%arg0: i32) -> (i32, i32) {
    %c0_i32 = arith.constant 0 : i32
    %c0_i32_0 = arith.constant 0 : i32
    return %arg0, %c0_i32 : i32, i32
  }
  func.func @transform_25(%arg0: i32) -> (i32, i32) {
    %c0_i32 = arith.constant 0 : i32
    %c0_i32_0 = arith.constant 0 : i32
    return %arg0, %c0_i32 : i32, i32
  }
  func.func @transform_26(%arg0: i32) -> (i32, i32) {
    %c0_i32 = arith.constant 0 : i32
    %c0_i32_0 = arith.constant 0 : i32
    %c0_i32_1 = arith.constant 0 : i32
    return %c0_i32, %c0_i32_0 : i32, i32
  }
  func.func @transform_27(%arg0: i32) -> (i32, i32) {
    %c0_i32 = arith.constant 0 : i32
    %c0_i32_0 = arith.constant 0 : i32
    %c0_i32_1 = arith.constant 0 : i32
    return %c0_i32, %c0_i32_0 : i32, i32
  }
  func.func @transform_28(%arg0: i32) -> (i32, i32) {
    %c0_i32 = arith.constant 0 : i32
    %c0_i32_0 = arith.constant 0 : i32
    %c0_i32_1 = arith.constant 0 : i32
    return %c0_i32, %c0_i32_0 : i32, i32
  }
  func.func @transform_29(%arg0: i32) -> (i32, i32) {
    %c0_i32 = arith.constant 0 : i32
    %c0_i32_0 = arith.constant 0 : i32
    %c0_i32_1 = arith.constant 0 : i32
    return %c0_i32, %c0_i32_0 : i32, i32
  }
}

module attributes {stable_mosaic.version = 14 : i64} {
  func.func @body(%arg0: i32, %arg1: memref<3200x64xbf16, #tpu.memory_space<vmem>>, %arg2: memref<200x128xf32, #tpu.memory_space<vmem>>, %arg3: memref<1x64xf32, #tpu.memory_space<vmem>>, %arg4: memref<1x64xf32, #tpu.memory_space<vmem>>, %arg5: memref<64x64xf32, #tpu.memory_space<vmem>>, %arg6: memref<1x64xf32, #tpu.memory_space<vmem>>, %arg7: memref<1x128xf32, #tpu.memory_space<vmem>>, %arg8: memref<1x128xf32, #tpu.memory_space<vmem>>, %arg9: memref<3200x64xf32, #tpu.memory_space<vmem>>, %arg10: memref<200x128xf32, #tpu.memory_space<vmem>>) attributes {dimension_semantics = [#tpu.dimension_semantics<arbitrary>], iteration_bounds = array<i64: 50>, scalar_prefetch = 0 : i64, scratch_operands = 0 : i64, tpu.core_type = #tpu.core_type<tc>, window_params = [{transform_indices = @transform_0, window_bounds = array<i64: 3200, 64>}, {transform_indices = @transform_1, window_bounds = array<i64: 200, 128>}, {pipeline_mode = #tpu.pipeline_mode<synchronous>, transform_indices = @transform_2, window_bounds = array<i64: 1, 64>}, {pipeline_mode = #tpu.pipeline_mode<synchronous>, transform_indices = @transform_3, window_bounds = array<i64: 1, 64>}, {pipeline_mode = #tpu.pipeline_mode<synchronous>, transform_indices = @transform_4, window_bounds = array<i64: 64, 64>}, {pipeline_mode = #tpu.pipeline_mode<synchronous>, transform_indices = @transform_5, window_bounds = array<i64: 1, 64>}, {pipeline_mode = #tpu.pipeline_mode<synchronous>, transform_indices = @transform_6, window_bounds = array<i64: 1, 128>}, {pipeline_mode = #tpu.pipeline_mode<synchronous>, transform_indices = @transform_7, window_bounds = array<i64: 1, 128>}, {transform_indices = @transform_8, window_bounds = array<i64: 3200, 64>}, {transform_indices = @transform_9, window_bounds = array<i64: 200, 128>}]} {
    %get3A = arith.constant 0 : index
    %get3A_0 = arith.constant 0 : index
    %get3A_1 = vector.load %arg1[%get3A, %get3A_0] : memref<3200x64xbf16, #tpu.memory_space<vmem>>, vector<3200x64xbf16>
    %convert_element_type3A = arith.extf %get3A_1 : vector<3200x64xbf16> to vector<3200x64xf32>
    %get3A_2 = arith.constant 0 : index
    %get3A_3 = arith.constant 0 : index
    %get3A_4 = vector.load %arg3[%get3A_2, %get3A_3] : memref<1x64xf32, #tpu.memory_space<vmem>>, vector<1x64xf32>
    %mul3A = vector.broadcast %get3A_4 : vector<1x64xf32> to vector<3200x64xf32>
    %mul3A_5 = arith.mulf %convert_element_type3A, %mul3A : vector<3200x64xf32>
    %get3A_6 = arith.constant 0 : index
    %get3A_7 = arith.constant 0 : index
    %get3A_8 = vector.load %arg4[%get3A_6, %get3A_7] : memref<1x64xf32, #tpu.memory_space<vmem>>, vector<1x64xf32>
    %add3A = vector.broadcast %get3A_8 : vector<1x64xf32> to vector<3200x64xf32>
    %add3A_9 = arith.addf %mul3A_5, %add3A : vector<3200x64xf32>
    %max3A = arith.constant 0.000000e+00 : f32
    %max3A_10 = vector.broadcast %max3A : f32 to vector<3200x64xf32>
    %max3A_11 = arith.maximumf %add3A_9, %max3A_10 : vector<3200x64xf32>
    %get3A_12 = arith.constant 0 : index
    %get3A_13 = arith.constant 0 : index
    %get3A_14 = vector.load %arg5[%get3A_12, %get3A_13] : memref<64x64xf32, #tpu.memory_space<vmem>>, vector<64x64xf32>
    %dot_general3A = arith.constant dense<0.000000e+00> : vector<3200x64xf32>
    %dot_general3A_15 = tpu.matmul %max3A_11, %get3A_14, %dot_general3A {dimension_numbers = #tpu.dot_dimension_numbers<[1], [0], [0], [1], [0, 0, 1, 1], [], []>, transpose_lhs_hint = false} : vector<3200x64xf32>, vector<64x64xf32>, vector<3200x64xf32> -> vector<3200x64xf32>
    %get3A_16 = arith.constant 0 : index
    %get3A_17 = arith.constant 0 : index
    %get3A_18 = vector.load %arg6[%get3A_16, %get3A_17] : memref<1x64xf32, #tpu.memory_space<vmem>>, vector<1x64xf32>
    %add3A_19 = vector.broadcast %get3A_18 : vector<1x64xf32> to vector<3200x64xf32>
    %add3A_20 = arith.addf %dot_general3A_15, %add3A_19 : vector<3200x64xf32>
    %swap3A = arith.constant 0 : index
    %swap3A_21 = arith.constant 0 : index
    %swap3A_22 = vector.load %arg9[%swap3A, %swap3A_21] : memref<3200x64xf32, #tpu.memory_space<vmem>>, vector<3200x64xf32>
    tpu.vector_store %arg9[%swap3A, %swap3A_21], %add3A_20 {strides = array<i32>} : memref<3200x64xf32, #tpu.memory_space<vmem>>, vector<3200x64xf32>,
    %get3A_23 = arith.constant 0 : index
    %get3A_24 = arith.constant 0 : index
    %get3A_25 = vector.load %arg2[%get3A_23, %get3A_24] : memref<200x128xf32, #tpu.memory_space<vmem>>, vector<200x128xf32>
    %get3A_26 = arith.constant 0 : index
    %get3A_27 = arith.constant 0 : index
    %get3A_28 = vector.load %arg7[%get3A_26, %get3A_27] : memref<1x128xf32, #tpu.memory_space<vmem>>, vector<1x128xf32>
    %mul3A_29 = vector.broadcast %get3A_28 : vector<1x128xf32> to vector<200x128xf32>
    %mul3A_30 = arith.mulf %get3A_25, %mul3A_29 : vector<200x128xf32>
    %get3A_31 = arith.constant 0 : index
    %get3A_32 = arith.constant 0 : index
    %get3A_33 = vector.load %arg8[%get3A_31, %get3A_32] : memref<1x128xf32, #tpu.memory_space<vmem>>, vector<1x128xf32>
    %add3A_34 = vector.broadcast %get3A_33 : vector<1x128xf32> to vector<200x128xf32>
    %add3A_35 = arith.addf %mul3A_30, %add3A_34 : vector<200x128xf32>
    %max3A_36 = arith.constant 0.000000e+00 : f32
    %max3A_37 = vector.broadcast %max3A_36 : f32 to vector<200x128xf32>
    %max3A_38 = arith.maximumf %add3A_35, %max3A_37 : vector<200x128xf32>
    %swap3A_39 = arith.constant 0 : index
    %swap3A_40 = arith.constant 0 : index
    %swap3A_41 = vector.load %arg10[%swap3A_39, %swap3A_40] : memref<200x128xf32, #tpu.memory_space<vmem>>, vector<200x128xf32>
    tpu.vector_store %arg10[%swap3A_39, %swap3A_40], %max3A_38 {strides = array<i32>} : memref<200x128xf32, #tpu.memory_space<vmem>>, vector<200x128xf32>,
    return
  }
  func.func @transform_0(%arg0: i32) -> (i32, i32) {
    %c0_i32 = arith.constant 0 : i32
    %c0_i32_0 = arith.constant 0 : i32
    return %arg0, %c0_i32 : i32, i32
  }
  func.func @transform_1(%arg0: i32) -> (i32, i32) {
    %c0_i32 = arith.constant 0 : i32
    %c0_i32_0 = arith.constant 0 : i32
    return %arg0, %c0_i32 : i32, i32
  }
  func.func @transform_2(%arg0: i32) -> (i32, i32) {
    %c0_i32 = arith.constant 0 : i32
    %c0_i32_0 = arith.constant 0 : i32
    %c0_i32_1 = arith.constant 0 : i32
    return %c0_i32, %c0_i32_0 : i32, i32
  }
  func.func @transform_3(%arg0: i32) -> (i32, i32) {
    %c0_i32 = arith.constant 0 : i32
    %c0_i32_0 = arith.constant 0 : i32
    %c0_i32_1 = arith.constant 0 : i32
    return %c0_i32, %c0_i32_0 : i32, i32
  }
  func.func @transform_4(%arg0: i32) -> (i32, i32) {
    %c0_i32 = arith.constant 0 : i32
    %c0_i32_0 = arith.constant 0 : i32
    %c0_i32_1 = arith.constant 0 : i32
    return %c0_i32, %c0_i32_0 : i32, i32
  }
  func.func @transform_5(%arg0: i32) -> (i32, i32) {
    %c0_i32 = arith.constant 0 : i32
    %c0_i32_0 = arith.constant 0 : i32
    %c0_i32_1 = arith.constant 0 : i32
    return %c0_i32, %c0_i32_0 : i32, i32
  }
  func.func @transform_6(%arg0: i32) -> (i32, i32) {
    %c0_i32 = arith.constant 0 : i32
    %c0_i32_0 = arith.constant 0 : i32
    %c0_i32_1 = arith.constant 0 : i32
    return %c0_i32, %c0_i32_0 : i32, i32
  }
  func.func @transform_7(%arg0: i32) -> (i32, i32) {
    %c0_i32 = arith.constant 0 : i32
    %c0_i32_0 = arith.constant 0 : i32
    %c0_i32_1 = arith.constant 0 : i32
    return %c0_i32, %c0_i32_0 : i32, i32
  }
  func.func @transform_8(%arg0: i32) -> (i32, i32) {
    %c0_i32 = arith.constant 0 : i32
    %c0_i32_0 = arith.constant 0 : i32
    return %arg0, %c0_i32 : i32, i32
  }
  func.func @transform_9(%arg0: i32) -> (i32, i32) {
    %c0_i32 = arith.constant 0 : i32
    %c0_i32_0 = arith.constant 0 : i32
    return %arg0, %c0_i32 : i32, i32
  }
}

</mosaic_0001>

<sc_bundles>
// kernel: kernel.7.cloned.1.call-start
scs
__scs_entry_jumppad:
0x0: {  	(pc) =	sbr.rel $0x88, $3  }
0x1: {  	(tag) =	ssettag $0x0;
	lr =	simm.s32 $0x1  }
0x2: {  	[smem:$0x3F79] =	sst lr;
	_ =	strace $0xD0000000  }
0x3: {  	_ = 	snop  }
0x4: {  	_ = 	snop  }
0x5: {  	_ = 	snop  }
0x6: {  	_ = 	snop  }
0x7: {  	_ = 	snop  }
__scs_overlays_trampoline_lowered:
0x8: {  	[smem:$0x3F88] =	sst s0  }
0x9: {  	[smem:$0x3F89] =	sst s1  }
0xa: {  	[smem:$0x3F8A] =	sst s2  }
0xb: {  	[smem:$0x3F8B] =	sst s3  }
0xc: {  	[smem:$0x3F8C] =	sst s4  }
0xd: {  	[smem:$0x3F8D] =	sst s5  }
0xe: {  	[smem:$0x3F8E] =	sst s6  }
0xf: {  	[smem:$0x3F8F] =	sst s7  }
0x10: {  	[smem:$0x3F90] =	sst s8  }
0x11: {  	[smem:$0x3F91] =	sst s9;
	s0 =	simm.s32 @!p0 $0x0  }
0x12: {  	s1 =	sld [smem:$0x3F77];
	s0 =	simm.s32 @p0 $0x1  }
0x13: {  	[smem:$0x3F92] =	sst s0;
	s0 =	simm.s32 @!p1 $0x0  }
0x14: {  	s2 =	sld [smem:$0x3F76];
	s0 =	simm.s32 @p1 $0x1  }
0x15: {  	[smem:$0x3F93] =	sst s0;
	s0 =	simm.s32 @!p2 $0x0  }
0x16: {  	s3 =	sld [smem:$0x3FDB];
	s0 =	simm.s32 @p2 $0x1  }
0x17: {  	s4 =	simm.s32 $0x1BF5;
	[smem:$0x3F95] =	sst s0  }
0x18: {  	s0 =	sld [smem:$0x3F78];
	_ =	swait.ge [sflag:s4], $0x0  }
0x19: {  	s7 =	sld [smem:$0x3F79]  }
0x1a: {  	s8 =	sadd.s32 $0xFFFFE003, lr  }
0x1b: {  	s9 =	sadd.s32 $0xFFFFFEF7, lr;
	s5 =	simm.s32 $0xFFFFFFFF;
	p2 =	slt.u32 s8, $0xFFFFF086  }
0x1c: {  	p1 =	slt.u32 s9, $0xF7A;
	s5 =	simm.s32 @!p2 $0x0  }
0x1d: {  	s5 =	simm.s32 @p1 $0x1;
	p0 =	seq.s32 s7, s2  }
0x1e: {  	s7 =	smul.u32 @!p0 $0xF7A, s2;
	p2 =	seq.s32 @!p0 s5, $0x0  }
0x1f: {  	s9 =	smul.u32 $0xF7A, s1;
	s8 =	simm.s32 @!p0 $0x1BF5;
	p2 =	por !p2, p0  }
0x20: {  	[sflag:s8] =	ssyncset.s32 @!p0 $0xFFFFF086;
	s6 =	sadd.s32 @!p0 s3, s7;
	s7 =	simm.s32 @!p0 $0x108  }
0x21: {  	s3 =	sadd.s32 s3, s9;
	s6 =	sadd.s32 @!p0 $0x88, s6;
	s7 =	simm.s32 @p2 $0x1082  }
0x22: {  	[simem:s7], [sflag:s8] =	dma.local @!p0 [hbm:s6], $0xF7A  }
0x23: {  	s9 =	sor.u32 $0xD0000000, s2;
	s6 =	simm.s32 $0x108;
	_ =	swait.ge @!p0 [sflag:s8], $0x0  }
0x24: {  	s3 =	sadd.s32 $0x88, s3;
	s6 =	simm.s32 @!p1 $0x1082;
	[sflag:s4] =	ssyncset.s32 $0xFFFFF086  }
0x25: {  	[simem:s6], [sflag:s4] =	dma.local [hbm:s3], $0xF7A  }
0x26: {  	[smem:$0x3F79] =	sst s1;
	(tag) =	ssettag s2;
	_ =	strace s9  }
0x27: {  	s1 =	sld [smem:$0x3F89]  }
0x28: {  	s2 =	sld [smem:$0x3F8A]  }
0x29: {  	s4 =	sld [smem:$0x3F8C]  }
0x2a: {  	p0 =	seq.s32 s5, $0x0;
	s5 =	sld [smem:$0x3F8D]  }
0x2b: {  	s6 =	sld [smem:$0x3F8E]  }
0x2c: {  	s7 =	sld [smem:$0x3F8F]  }
0x2d: {  	s3 =	simm.s32 $0x108;
	s8 =	sld [smem:$0x3F90]  }
0x2e: {  	s3 =	simm.s32 @!p0 $0x1082;
	s9 =	sld [smem:$0x3F91]  }
0x2f: {  	lr =	sadd.s32 s0, s3;
	s0 =	sld [smem:$0x3F88]  }
0x30: {  	s3 =	sld [smem:$0x3F8B]  }
0x31: {  	[smem:$0x3F94] =	sst s10  }
0x32: {  	s10 =	sld [smem:$0x3F92];
	_ =	sdelay $0x3  }
0x33: {  	p0 =	seq.s32 s10, $0x1;
	s10 =	sld [smem:$0x3F94];
	_ =	sdelay $0x3  }
0x34: {  	[smem:$0x3F94] =	sst s10  }
0x35: {  	s10 =	sld [smem:$0x3F93];
	_ =	sdelay $0x3  }
0x36: {  	p1 =	seq.s32 s10, $0x1;
	s10 =	sld [smem:$0x3F94];
	_ =	sdelay $0x3  }
0x37: {  	[smem:$0x3F94] =	sst s10  }
0x38: {  	s10 =	sld [smem:$0x3F95]  }
0x39: {  	_ = 	snop;
	(pc) =	sbr.ind lr, $3  }
0x3a: {  	_ = 	snop  }
0x3b: {  	_ = 	snop  }
0x3c: {  	p2 =	seq.s32 s10, $0x1;
	s10 =	sld [smem:$0x3F94]  }
0x3d: {  	_ =	shalt  }
0x3e: {  	_ =	shalt  }
0x3f: {  	_ =	shalt  }
0x40: {  	_ =	shalt  }
0x41: {  	_ =	shalt  }
0x42: {  	_ =	shalt  }
0x43: {  	_ =	shalt  }
0x44: {  	_ =	shalt  }
0x45: {  	_ =	shalt  }
0x46: {  	_ =	shalt  }
0x47: {  	_ =	shalt  }
0x48: {  	_ =	shalt  }
0x49: {  	_ =	shalt  }
0x4a: {  	_ =	shalt  }
0x4b: {  	_ =	shalt  }
0x4c: {  	_ =	shalt  }
0x4d: {  	_ =	shalt  }
0x4e: {  	_ =	shalt  }
0x4f: {  	_ =	shalt  }
0x50: {  	_ =	shalt  }
0x51: {  	_ =	shalt  }
0x52: {  	_ =	shalt  }
0x53: {  	_ =	shalt  }
0x54: {  	_ =	shalt  }
0x55: {  	_ =	shalt  }
0x56: {  	_ =	shalt  }
0x57: {  	_ =	shalt  }
0x58: {  	_ =	shalt  }
0x59: {  	_ =	shalt  }
0x5a: {  	_ =	shalt  }
0x5b: {  	_ =	shalt  }
0x5c: {  	_ =	shalt  }
0x5d: {  	_ =	shalt  }
0x5e: {  	_ =	shalt  }
0x5f: {  	_ =	shalt  }
0x60: {  	_ =	shalt  }
0x61: {  	_ =	shalt  }
0x62: {  	_ =	shalt  }
0x63: {  	_ =	shalt  }
0x64: {  	_ =	shalt  }
0x65: {  	_ =	shalt  }
0x66: {  	_ =	shalt  }
0x67: {  	_ =	shalt  }
0x68: {  	_ =	shalt  }
0x69: {  	_ =	shalt  }
0x6a: {  	_ =	shalt  }
0x6b: {  	_ =	shalt  }
0x6c: {  	_ =	shalt  }
0x6d: {  	_ =	shalt  }
0x6e: {  	_ =	shalt  }
0x6f: {  	_ =	shalt  }
0x70: {  	_ =	shalt  }
0x71: {  	_ =	shalt  }
0x72: {  	_ =	shalt  }
0x73: {  	_ =	shalt  }
0x74: {  	_ =	shalt  }
0x75: {  	_ =	shalt  }
0x76: {  	_ =	shalt  }
0x77: {  	_ =	shalt  }
0x78: {  	_ =	shalt  }
0x79: {  	_ =	shalt  }
0x7a: {  	_ =	shalt  }
0x7b: {  	_ =	shalt  }
0x7c: {  	_ =	shalt  }
0x7d: {  	_ =	shalt  }
0x7e: {  	_ =	shalt  }
0x7f: {  	_ =	shalt  }
0x80: {  	_ =	shalt  }
0x81: {  	_ =	shalt  }
0x82: {  	_ =	shalt  }
0x83: {  	_ =	shalt  }
0x84: {  	_ =	shalt  }
0x85: {  	_ =	shalt  }
0x86: {  	_ =	shalt  }
0x87: {  	_ =	shalt  }
.Lfunc_end0:
.L_simem_size_0:
called_computation.1_lowered:
.L_overlay_start_0:
0x88: {  	s2 =	sld [smem:$0x3FD9]  }
0x89: {  	s3 =	sld [smem:$0x3FFE];
	_ =	sdelay $0x1  }
0x8a: {  	s1 =	srdreg.scid  }
0x8b: {  	s0 =	sand.u32 $0x1, s1  }
0x8c: {  	s14 =	sshll.u32 s0, $0xA;
	s2 =	sadd.s32 s3, s2  }
0x8d: {  	s2 =	sadd.s32 s2, s14  }
0x8e: {  	[smem:$0x3FA0] =	sst s2  }
0x8f: {  	_ = 	snop  }
0x90: {  	s2 =	sld [smem:$0x3FD0];
	_ =	sdelay $0x2  }
0x91: {  	s4 =	simm.s32 $0xA;
	s5 =	simm.s32 $0x10;
	s15 =	sld [smem:$0x3FC9]  }
0x92: {  	[smem:s5], [sflag:s4] =	dma.local [hbm:s2], $0x1  }
0x93: {  	_ =	swait.eq [sflag:s4], $0x1  }
0x94: {  	[sflag:s4] =	ssyncset.done $0x0  }
0x95: {  	[sflag:s4] =	ssyncadd.s32 $0xFFFFFFFF  }
0x96: {  	s16 =	sld [smem:$0x10];
	(tm) =	ssettm $0x1  }
0x97: {  	s17 =	sld [smem:$0x3FFB];
	_ =	sdelay $0x3  }
0x98: {  	_ =	strace s17  }
0x99: {  	s4 =	sld [smem:$0x3FFC];
	_ =	sdelay $0x3  }
0x9a: {  	_ =	strace s4  }
0x9b: {  	s4 =	sld [smem:$0x3FFD];
	_ =	sdelay $0x3  }
0x9c: {  	_ =	strace s4  }
0x9d: {  	_ =	strace $0x8FFFFFFF  }
0x9e: {  	s18 =	sld [smem:$0x3FDB];
	_ =	sdelay $0x1  }
0x9f: {  	s19 =	simm.s32 $_scs_section_size  }
0xa0: {  	s6 =	simm.s32 $_size__tile_overlayer_lowered;
	s7 =	simm.s32 $_tile_overlayer_lowered  }
0xa1: {  	s22 =	simm.s32 $0x1BFF;
	s21 =	sshll.u32 s7, $0x1;
	s4 =	sadd.s32 s19, s18  }
0xa2: {  	s8 =	simm.s32 $0x0;
	s20 =	sshll.u32 s6, $0x1;
	s6 =	sadd.s32 s21, s4  }
0xa3: {  	[timem:s8], [sflag:s22] =	dma.local [hbm:s6], s20  }
0xa4: {  	_ =	swait.ge [sflag:s22], s20  }
0xa5: {  	s5 =	ssub.s32 $0x0, s20;
	[sflag:s22] =	ssyncset.done $0x0  }
0xa6: {  	[sflag:s22] =	ssyncadd.s32 s5;
	_ =	sdelay $0x1  }
0xa7: {  	s23 =	simm.s32 $0x1B8B  }
0xa8: {  	_ =	swait.ge [sflag:s23], $0x1  }
0xa9: {  	[sflag:s23] =	ssyncset.done $0x0  }
0xaa: {  	s25 =	simm.s32 $0x1B8E;
	s24 =	sld [smem:$0x3FFE];
	[sflag:s23] =	ssyncadd.s32 $0xFFFFFFFF  }
0xab: {  	s26 =	simm.s32 $execute0_lowered;
	[smem:$0x3FD2] =	sst s25  }
0xac: {  	s6 =	sshll.u32 s26, $0x1;
	_ =	strace $0x80000046;
	[dreg:$0x1] =	wrdreg $0xFFFFFFFF  }
0xad: {  	s28 =	simm.s32 $_size_execute0_lowered;
	s4 =	sadd.s32 s4, s6;
	[dreg:$0x0] =	wrdreg $0x0  }
0xae: {  	s6 =	sshll.u32 s28, $0x1;
	[dreg:$0x2] =	wrdreg s4  }
0xaf: {  	[dreg:$0x3] =	wrdreg s6  }
0xb0: {  	[dreg:$0x4] =	wrdreg $0xC0  }
0xb1: {  	_ =	task [dreg:s8], $0x5FFFF  }
0xb2: {  	[dreg:$0x1] =	wrdreg $0xFFFFFFFF  }
0xb3: {  	[dreg:$0x0] =	wrdreg $0x60  }
0xb4: {  	[dreg:$0x2] =	wrdreg s15  }
0xb5: {  	[dreg:$0x3] =	wrdreg s16  }
0xb6: {  	[dreg:$0x4] =	wrdreg s24  }
0xb7: {  	[dreg:$0x5] =	wrdreg $0x9  }
0xb8: {  	_ =	task.clear_ibuf [dreg:s8], $0x6FFFF;
	_ =	strace $0x90000046  }
0xb9: {  	s29 =	simm.s32 $0x9;
	_ =	strace $0x8000004F  }
0xba: {  	_ =	swait.ge [sflag:s29], $0x1  }
0xbb: {  	[sflag:s29] =	ssyncadd.s32 $0xFFFFFFFF  }
0xbc: {  	_ =	strace $0x9000004F  }
0xbd: {  	_ =	sfence  }
0xbe: {  	s30 =	sld [smem:$0x0];
	_ =	sdelay $0x2  }
0xbf: {  	s31 =	sshll.u32 s1, $0xD;
	s1 =	sshrl.u32 s1, $0x2  }
0xc0: {  	s3 =	sand.u32 $0x4000, s31;
	s1 =	sadd.s32 s1, s30  }
0xc1: {  	s0 =	sor.u32 s3, s0;
	s1 =	sshll.u32 s1, $0x11  }
0xc2: {  	s0 =	sor.u32 s1, s0  }
0xc3: {  	s0 =	sadd.s32 $0x8F2B, s0  }
0xc4: {  	[sflag:s0] =	ssyncadd.remote.s32 $0x1  }
0xc5: {  	_ =	sfence.sel $0xFFFF  }
0xc6: {  	[dreg:$0x0] =	wrdreg $0xFFFFFFFF;
	(pc) =	sbr.abs _section_cstart, $3  }
0xc7: {  	[dreg:$0x1] =	wrdreg $0xFFFFFFFF  }
0xc8: {  	_ =	task.clear_ibuf [dreg:s8], $0x2FFFF;
	_ =	strace $0x9FFFFFFF  }
0xc9: {  	(tm) =	ssettm $0x7FFFFFFF  }
tec
execute0_lowered:
.L_overlay_start_1:
0x0: {  	(tag) =	ssettag $0x1  }
0x1: {  	s0 =	rddreg [dreg:$0x0]  }
0x2: {  	s28 =	srdreg.scid;
	s2 =	rddreg [dreg:$0x1]  }
0x3: {  	s4 =	rddreg [dreg:$0x2];
	s1 =	stileid.u32  }
0x4: {  	s3 =	simm.s32 $0x0;
	[dreg:$0x4] =	wrdreg s0;
	s5 =	sand.u32 $0x1, s28  }
0x5: {  	s10 =	simm.s32 $0x80;
	s0 =	rddreg [dreg:$0x3];
	s6 =	sshll.u32 s5, $0x4  }
0x6: {  	s11 =	simm.s32 $0x0;
	[smem:$0x7FF] =	sst s3;
	s6 =	sor.u32 s1, s6  }
0x7: {  	s9 =	sadd.s32 $0x6800, s4;
	_ =	strace $0x80000047;
	s7 =	smul.u32 $0x27, s6  }
0x8: {  	[dreg:$0x6] =	wrdreg s9;
	s29 =	ssub.s32 $0x2, s5;
	s8 =	smul.u32 $0x28, s6  }
0x9: {  	s5 =	simm.s32 $0x28;
	p0 =	slt.u32 s6, $0x2;
	s4 =	sadd.s32 $0x2, s7  }
0xa: {  	s9 =	simm.s32 $0x1;
	[dreg:$0x5] =	wrdreg s10;
	s4 =	smov.u32 @p0 s8  }
0xb: {  	s10 =	simm.s32 $0x5;
	s31 =	sshrl.u32 s29, $0x1;
	s30 =	sshll.u32 s4, $0x4  }
0xc: {  	s5 =	simm.s32 @!p0 $0x27;
	s8 =	ssub.s32 s29, s31;
	s7 =	sand.u32 $0x1FFFFFF0, s30  }
0xd: {  	s8 =	smax.u32 s8, $0x1;
	s6 =	sadd.s32 s2, s7;
	s7 =	sadd.s32 $0xFFFFFFFF, s5  }
.LBB2_1:
0xe: {  	_ =	strace $0x80000048;
	p2 =	sne.s32 s5, $0x1  }
.Ltmp0:
0xf: {  	p0 =	seq.s32 s5, $0x1;
	s13 =	simm.s32 $0x1;
	(pc) =	sbr.rel @!p2 .LBB2_2-.Ltmp0, $4  }
0x10: {  	[tilespmem:s3], [sflag:$0x1] =	stream.linear.gather [hbm4b:s6+s3], $0x80, $0x200038;
	[tilespmem:$0x8100] =	vst v63  }
0x11: {  	s12 =	simm.s32 $0x1;
	p1 =	por $0x1, $0x1;
	s13 =	simm.s32 @p0 $0x0  }
0x12: {  	p6 =	sgt.u32 s7, $0x0;
	p4 =	por p1, p1;
	p3 =	sne.s32 s13, $0x0  }
0x13: {  	_ =	strace $0x90000048;
	p5 =	por !p6, !p3;
	p6 =	por $0x0, $0x0  }
0x14: {  	p2 =	por !p5, !p5  }
0x15: {  	s21 =	sand.u32 $0x1, s3;
	s19 =	simm.s32 $0x2;
	s14 =	sadd.s32 @p2 s4, s13  }
0x16: {  	p1 =	por p3, p3;
	s15 =	sand.u32 @p2 $0x1, s9;
	s14 =	sshll.u32 @p2 s14, $0x4  }
0x17: {  	_ =	strace @p2 $0x80000049;
	s17 =	simm.s32 @p2 $0x0;
	s14 =	sand.u32 @p2 $0x1FFFFFF0, s14  }
0x18: {  	s16 =	sshll.u32 @p2 s15, $0x7;
	s15 =	sadd.s32 @p2 $0x1, s15;
	s14 =	sadd.s32 @p2 s2, s14  }
0x19: {  	[tilespmem:s16], [sflag:s15] =	stream.linear.gather @p2 [hbm4b:s14+s17], $0x80, $0x200038;
	[tilespmem:$0x8100] =	vst v63  }
0x1a: {  	s30 =	simm.s32 $0x0;
	p6 =	por $0x0, $0x0;
	_ =	strace @p2 $0x90000049  }
0x1b: {  	p0 =	sne.s32 s5, $0x2;
	s29 =	sadd.s32 $0x1, s21;
	_ =	strace $0x8000004A  }
0x1c: {  	s24 =	sadd.s32 $0x0, s4;
	p5 =	sgt.u32 s7, $0x1;
	_ =	swait.ge [sflag:s29], $0x80  }
0x1d: {  	s23 =	simm.s32 $0x1;
	s22 =	sshll.u32 s21, $0xE;
	[sflag:s29] =	ssyncset.done $0x0  }
0x1e: {  	s22 =	sor.u32 $0x100, s22;
	s16 =	sand.u32 @!p4 $0x1, s3;
	[sflag:s29] =	ssyncadd.s32 $0xFFFFFF80  }
0x1f: {  	s15 =	simm.s32 $0x1;
	s17 =	sadd.s32 $0x1, s13;
	_ =	strace $0x9000004A  }
0x20: {  	s14 =	sand.u32 $0x80, s30;
	s15 =	simm.s32 @!p2 $0x0;
	_ =	strace $0x8000004B  }
0x21: {  	p2 =	por p4, p4;
	p4 =	por p6, p6;
	s20 =	rddreg [dreg:$0x5]  }
0x22: {  	p3 =	seq.s32 s17, s5;
	p6 =	seq.s32 s7, $0x0;
	s31 =	rddreg [dreg:$0x4]  }
0x23: {  	[tilespmem:s22], [sflag:$0x5] =	stream.indirect.gather [hbm4b:s31+s20], $0x80, s14, s20, $0x2000b8;
	[tilespmem:$0x8100] =	vst v63  }
.Ltmp1:
0x24: {  	s18 =	sadd.s32 $0x1, s15;
	s17 =	simm.s32 @p3 $0x0;
	(pc) =	sbr.rel @!p0 .LBB2_4-.Ltmp1, $4  }
0x25: {  	p1 =	por p6, p1;
	p6 =	por $0x0, $0x0;
	_ =	swait.ge [sflag:s10], $0x4000  }
0x26: {  	s15 =	simm.s32 $0x0;
	p3 =	sne.s32 s13, s17;
	[sflag:s10] =	ssyncset.done $0x0  }
0x27: {  	s23 =	simm.s32 @!p6 $0x0;
	p5 =	por !p5, !p3;
	[sflag:s10] =	ssyncadd.s32 $0xFFFFC000  }
0x28: {  	s14 =	simm.s32 $0x0;
	s20 =	simm.s32 $0x0;
	_ =	strace $0x9000004B  }
.LBB2_5:
0x29: {  	_ =	strace @p1 $0x8000004C;
	s14 =	sadd.s32 s23, s14;
	s23 =	smov.u32 s12  }
0x2a: {  	s12 =	smov.u32 s19;
	s19 =	sadd.s32 $0x1, s19;
	p0 =	por p3, p3  }
0x2b: {  	s29 =	sshll.u32 @p1 s24, $0xB;
	s21 =	sadd.s32 @p1 $0x3, s21;
	s25 =	simm.s32 @!p0 $0x0  }
0x2c: {  	s26 =	rddreg [dreg:$0x6];
	s29 =	sand.u32 @p1 $0x1FFFF800, s29;
	s25 =	simm.s32 @p0 $0x1  }
0x2d: {  	s26 =	sadd.s32 @p1 s26, s29;
	s29 =	simm.s32 @p1 $0x0;
	p0 =	sne.s32 s5, s19  }
0x2e: {  	[hbm4b:s26+s29] =	stream.linear.scatter @p1 [tilespmem:s22], [sflag:s21], $0x4000, $0x200038;
	[tilespmem:$0x8100] =	vst v63  }
0x2f: {  	s21 =	sadd.s32 @!p2 $0x3, s16;
	s16 =	simm.s32 @!p0 $0x0  }
0x30: {  	s28 =	simm.s32 $0x1;
	[smem:$0x7FC] =	sst s25;
	s16 =	simm.s32 @p0 $0x1  }
0x31: {  	s28 =	simm.s32 @!p1 $0x0;
	_ =	strace @p1 $0x9000004C;
	[smem:$0x7FD] =	sst s16  }
0x32: {  	s20 =	sadd.s32 s28, s20;
	s25 =	sand.u32 @!p4 $0x1, s14;
	_ =	strace @!p2 $0x8000004D  }
0x33: {  	p1 =	por !p5, !p5;
	s16 =	smov.u32 s25;
	_ =	swait.ge @!p2 [sflag:s21], $0x4000  }
0x34: {  	s22 =	sand.u32 @p1 $0x1, s18;
	s25 =	sadd.s32 @p1 s4, s17;
	[sflag:s21] =	ssyncset.done @!p2 $0x0  }
0x35: {  	s26 =	sshll.u32 @p1 s22, $0x7;
	s25 =	sshll.u32 @p1 s25, $0x4;
	[sflag:s21] =	ssyncadd.s32 @!p2 $0xFFFFC000  }
0x36: {  	s21 =	sadd.s32 @p1 $0x1, s22;
	s22 =	sand.u32 @p1 $0x1FFFFFF0, s25;
	_ =	strace @!p2 $0x9000004D  }
0x37: {  	s25 =	simm.s32 @p1 $0x0;
	s22 =	sadd.s32 @p1 s2, s22;
	_ =	strace @p1 $0x80000049  }
0x38: {  	[tilespmem:s26], [sflag:s21] =	stream.linear.gather @p1 [hbm4b:s22+s25], $0x80, $0x200038;
	[tilespmem:$0x8100] =	vst v63  }
0x39: {  	s15 =	sadd.s32 s28, s15;
	s28 =	sand.u32 $0x1, s20;
	_ =	strace @p1 $0x90000049  }
0x3a: {  	s28 =	sadd.s32 $0x1, s28;
	_ =	strace $0x8000004A  }
0x3b: {  	_ =	swait.ge [sflag:s28], $0x80  }
0x3c: {  	[sflag:s28] =	ssyncset.done $0x0  }
0x3d: {  	s21 =	simm.s32 $0x1;
	[sflag:s28] =	ssyncadd.s32 $0xFFFFFF80  }
0x3e: {  	s21 =	simm.s32 @!p1 $0x0;
	_ =	strace $0x9000004A  }
0x3f: {  	s18 =	sadd.s32 s21, s18;
	s21 =	sand.u32 $0x1, s15;
	_ =	strace $0x8000004B  }
0x40: {  	s31 =	sshll.u32 s20, $0x7;
	s29 =	sshll.u32 s21, $0xE;
	s25 =	rddreg [dreg:$0x5]  }
0x41: {  	s31 =	sand.u32 $0x80, s31;
	s22 =	sor.u32 $0x100, s29;
	s26 =	rddreg [dreg:$0x4]  }
0x42: {  	[tilespmem:s22], [sflag:$0x5] =	stream.indirect.gather [hbm4b:s26+s25], $0x80, s31, s25, $0x2000b8;
	[tilespmem:$0x8100] =	vst v63  }
0x43: {  	_ =	swait.ge [sflag:s10], $0x4000  }
0x44: {  	[sflag:s10] =	ssyncset.done $0x0  }
0x45: {  	[sflag:s10] =	ssyncadd.s32 $0xFFFFC000  }
0x46: {  	s30 =	sadd.s32 $0x1, s17;
	_ =	strace $0x9000004B  }
0x47: {  	s24 =	sadd.s32 s4, s13;
	s13 =	smov.u32 s17;
	s31 =	sld [smem:$0x7FD]  }
0x48: {  	p0 =	sne.s32 s23, $0x0;
	s17 =	smov.u32 s30;
	p1 =	seq.s32 s30, s5  }
0x49: {  	s17 =	simm.s32 @p1 $0x0;
	p1 =	seq.s32 s7, s23;
	s23 =	simm.s32 $0x1  }
0x4a: {  	s23 =	simm.s32 @!p0 $0x0;
	p0 =	seq.s32 s31, $0x1  }
.Ltmp2:
0x4b: {  	s30 =	sld [smem:$0x7FC];
	(pc) =	sbr.rel @p0 .LBB2_5-.Ltmp2, $4  }
0x4c: {  	p3 =	seq.s32 s12, $0x0  }
0x4d: {  	p6 =	por p3, p3;
	p5 =	slt.u32 s12, s7  }
0x4e: {  	p2 =	por p4, p4;
	p3 =	sne.s32 s13, s17;
	p4 =	seq.s32 s30, $0x1  }
0x4f: {  	p5 =	por !p5, !p3;
	p1 =	por p1, p4;
	p4 =	por p6, p6  }
0x50: {  	p6 =	por $0x1, $0x1  }
.LBB2_7:
0x51: {  	p0 =	por !p1, !p6  }
0x52: {  	s25 =	simm.s32 $0x1;
	_ =	strace @!p0 $0x8000004C;
	s24 =	sshll.u32 @!p0 s24, $0xB  }
0x53: {  	p2 =	por p2, !p6;
	s19 =	rddreg [dreg:$0x6];
	s24 =	sand.u32 @!p0 $0x1FFFF800, s24  }
0x54: {  	s21 =	sadd.s32 @!p0 $0x3, s21;
	s19 =	sadd.s32 @!p0 s19, s24;
	s24 =	simm.s32 @!p0 $0x0  }
0x55: {  	[hbm4b:s19+s24] =	stream.linear.scatter @!p0 [tilespmem:s22], [sflag:s21], $0x4000, $0x200038;
	[tilespmem:$0x8100] =	vst v63  }
0x56: {  	p1 =	por !p5, !p5;
	s25 =	simm.s32 @p0 $0x0;
	_ =	strace @!p0 $0x9000004C  }
0x57: {  	s16 =	sadd.s32 @!p2 $0x3, s16;
	s17 =	sadd.s32 @p1 s4, s17;
	_ =	strace @!p2 $0x8000004D  }
0x58: {  	s18 =	sand.u32 @p1 $0x1, s18;
	s17 =	sshll.u32 @p1 s17, $0x4;
	_ =	swait.ge @!p2 [sflag:s16], $0x4000  }
0x59: {  	s17 =	sand.u32 @p1 $0x1FFFFFF0, s17;
	s19 =	sadd.s32 @p6 s25, s20;
	[sflag:s16] =	ssyncset.done @!p2 $0x0  }
0x5a: {  	s20 =	simm.s32 $0x0;
	s17 =	sadd.s32 @p1 s2, s17;
	[sflag:s16] =	ssyncadd.s32 @!p2 $0xFFFFC000  }
0x5b: {  	s20 =	smov.u32 @p6 s19;
	s19 =	sshll.u32 @p1 s18, $0x7;
	_ =	strace @!p2 $0x9000004D  }
0x5c: {  	s16 =	sadd.s32 @p1 $0x1, s18;
	s18 =	simm.s32 @p1 $0x0;
	_ =	strace @p1 $0x80000049  }
0x5d: {  	[tilespmem:s19], [sflag:s16] =	stream.linear.gather @p1 [hbm4b:s17+s18], $0x80, $0x200038;
	[tilespmem:$0x8100] =	vst v63  }
0x5e: {  	s26 =	sand.u32 $0x1, s20;
	_ =	strace @p1 $0x90000049  }
0x5f: {  	s16 =	sadd.s32 $0x1, s26;
	_ =	strace $0x8000004A  }
0x60: {  	_ =	swait.ge [sflag:s16], $0x80  }
0x61: {  	[sflag:s16] =	ssyncset.done $0x0  }
0x62: {  	s15 =	sadd.s32 @p6 s25, s15;
	[sflag:s16] =	ssyncadd.s32 $0xFFFFFF80;
	s16 =	simm.s32 $0x0  }
0x63: {  	_ =	strace $0x9000004A;
	s16 =	smov.u32 @p6 s15  }
0x64: {  	_ =	strace $0x8000004B;
	s16 =	sand.u32 $0x1, s16  }
0x65: {  	s30 =	sshll.u32 s20, $0x7;
	s28 =	rddreg [dreg:$0x5];
	s31 =	sshll.u32 s16, $0xE  }
0x66: {  	s18 =	sand.u32 $0x80, s30;
	s29 =	rddreg [dreg:$0x4];
	s19 =	sor.u32 $0x100, s31  }
0x67: {  	[tilespmem:s19], [sflag:$0x5] =	stream.indirect.gather [hbm4b:s29+s28], $0x80, s18, s28, $0x2000b8;
	[tilespmem:$0x8100] =	vst v63  }
0x68: {  	_ =	swait.ge [sflag:s10], $0x4000  }
0x69: {  	p3 =	por p3, p3;
	[sflag:s10] =	ssyncset.done $0x0  }
0x6a: {  	p5 =	seq.s32 s7, s12;
	s13 =	sadd.s32 s4, s13;
	[sflag:s10] =	ssyncadd.s32 $0xFFFFC000  }
0x6b: {  	s14 =	sadd.s32 @p6 s23, s14;
	p1 =	por p5, p3;
	_ =	strace $0x9000004B  }
0x6c: {  	s17 =	simm.s32 $0x0;
	s13 =	sshll.u32 @p1 s13, $0xB;
	_ =	strace @p1 $0x8000004C  }
0x6d: {  	s17 =	smov.u32 @p6 s14;
	s13 =	sand.u32 @p1 $0x1FFFF800, s13;
	s15 =	rddreg [dreg:$0x6]  }
0x6e: {  	s14 =	sadd.s32 @p1 $0x3, s16;
	s13 =	sadd.s32 @p1 s15, s13;
	s15 =	simm.s32 @p1 $0x0  }
0x6f: {  	[hbm4b:s13+s15] =	stream.linear.scatter @p1 [tilespmem:s19], [sflag:s14], $0x4000, $0x200038;
	[tilespmem:$0x8100] =	vst v63  }
0x70: {  	p0 =	por p4, p4;
	s13 =	sand.u32 @!p4 $0x1, s17;
	_ =	strace @p1 $0x9000004C  }
0x71: {  	s13 =	sadd.s32 @!p0 $0x3, s13;
	_ =	strace @!p0 $0x8000004D  }
0x72: {  	p1 =	sne.s32 s12, $0x0;
	s12 =	simm.s32 $0x1;
	_ =	swait.ge @!p0 [sflag:s13], $0x4000  }
0x73: {  	s12 =	simm.s32 @!p1 $0x0;
	[sflag:s13] =	ssyncset.done @!p0 $0x0  }
0x74: {  	s11 =	sadd.s32 $0x1, s11;
	s12 =	sadd.s32 s12, s17;
	[sflag:s13] =	ssyncadd.s32 @!p0 $0xFFFFC000  }
0x75: {  	s12 =	sand.u32 $0x1, s12;
	_ =	strace @!p0 $0x9000004D;
	p0 =	sne.s32 s11, s8  }
.Ltmp3:
0x76: {  	s12 =	sadd.s32 $0x3, s12;
	_ =	strace $0x8000004E;
	(pc) =	sbr.rel @p0 .LBB2_1-.Ltmp3, $4  }
.Ltmp4:
0x77: {  	_ =	swait.ge [sflag:s12], $0x4000;
	(pc) =	sbr.rel @!p0 .LBB2_8-.Ltmp4, $4  }
0x78: {  	[sflag:s12] =	ssyncset.done $0x0  }
0x79: {  	[sflag:s12] =	ssyncadd.s32 $0xFFFFC000  }
0x7a: {  	_ =	strace $0x9000004E  }
0x7b: {  	_ = 	snop  }
.LBB2_2:
.Ltmp5:
0x7c: {  	(pc) =	sbr.rel .LBB2_7-.Ltmp5, $4  }
0x7d: {  	_ = 	snop  }
0x7e: {  	s14 =	simm.s32 $0x0  }
0x7f: {  	s12 =	simm.s32 $0x0;
	s15 =	simm.s32 $0x0;
	s17 =	smov.u32 s13  }
0x80: {  	s20 =	simm.s32 $0x0;
	s18 =	simm.s32 $0x1;
	s13 =	simm.s32 $0x0  }
.LBB2_4:
.Ltmp6:
0x81: {  	(pc) =	sbr.rel .LBB2_7-.Ltmp6, $3  }
0x82: {  	_ =	sdelay $0x1  }
0x83: {  	s14 =	simm.s32 $0x0  }
0x84: {  	s15 =	simm.s32 $0x0;
	s20 =	simm.s32 $0x0;
	p6 =	por $0x1, $0x1  }
.LBB2_8:
0x85: {  	_ =	sfence.sel $0x180000  }
0x86: {  	[bflag:$0x0] =	sbarrier.arrive $0xFFFF  }
0x87: {  	p0 =	sne.s32 s1, $0x0;
	_ =	strace $0x90000047  }
0x88: {  	s0 =	sadd.s32 @!p0 $0x100000, s0;
	[bflag:$0x2] =	sbarrier.arrive $0xFFFF  }
0x89: {  	[sflag:s0] =	ssyncadd.tile.s32 @!p0 $0x1;
	_ =	shalt  }
.Lfunc_end2:
_tile_overlayer_lowered:
.L_overlay_start_2:
0x8a: {  	(tag) =	ssettag $0x2  }
0x8b: {  	s0 =	rddreg [dreg:$0x0];
	s2 =	stileid.u32  }
0x8c: {  	s1 =	rddreg [dreg:$0x1];
	p0 =	sne.s32 s2, $0x0  }
0x8d: {  	s3 =	rddreg [dreg:$0x2];
	[bflag:$0x3] =	sbarrier.arrive $0xFFFF;
	s2 =	simm.s32 @!p0 $0x1C01  }
0x8e: {  	[timem:s3], [sflag:s2] =	dma.local @!p0 [hbm:s0], s1  }
0x8f: {  	s0 =	simm.s32 @!p0 $0x1  }
0x90: {  	_ =	swait.ge @!p0 [sflag:s0], s1  }
0x91: {  	s1 =	ssub.s32 @!p0 $0x0, s1;
	[sflag:s0] =	ssyncset.done @!p0 $0x0  }
0x92: {  	[sflag:s0] =	ssyncadd.s32 @!p0 s1  }
0x93: {  	[bflag:$0x3] =	sbarrier.arrive $0xFFFF  }
0x94: {  	_ =	shalt  }

// kernel: sparse-core-data-format-call.cloned.1.call-start
scs
called_computation_lowered:
.L_overlay_start_0:
0x0: {  	s2 =	sld [smem:$0x3FD9]  }
0x1: {  	s3 =	sld [smem:$0x3FFE];
	_ =	sdelay $0x1  }
0x2: {  	s1 =	srdreg.scid  }
0x3: {  	s0 =	sand.u32 $0x1, s1  }
0x4: {  	s15 =	sshll.u32 s0, $0xA;
	s2 =	sadd.s32 s3, s2  }
0x5: {  	s2 =	sadd.s32 s2, s15  }
0x6: {  	[smem:$0x3FA0] =	sst s2  }
0x7: {  	_ = 	snop  }
0x8: {  	s2 =	sld [smem:$0x3FD0];
	_ =	sdelay $0x2  }
0x9: {  	s16 =	simm.s32 $0xA;
	s4 =	simm.s32 $0x10  }
0xa: {  	[smem:s4], [sflag:s16] =	dma.local [hbm:s2], $0x1  }
0xb: {  	_ =	swait.eq [sflag:s16], $0x1  }
0xc: {  	[sflag:s16] =	ssyncset.done $0x0  }
0xd: {  	[sflag:s16] =	ssyncadd.s32 $0xFFFFFFFF  }
0xe: {  	s17 =	sld [smem:$0x11];
	(tm) =	ssettm $0x1  }
0xf: {  	s18 =	sld [smem:$0x3FFB];
	_ =	sdelay $0x3  }
0x10: {  	_ =	strace s18  }
0x11: {  	s3 =	sld [smem:$0x3FFC];
	_ =	sdelay $0x3  }
0x12: {  	_ =	strace s3  }
0x13: {  	s3 =	sld [smem:$0x3FFD];
	_ =	sdelay $0x3  }
0x14: {  	_ =	strace s3  }
0x15: {  	_ =	strace $0x8FFFFFFF  }
0x16: {  	s19 =	sld [smem:$0x3FDB];
	_ =	sdelay $0x1  }
0x17: {  	s20 =	simm.s32 $_scs_section_size  }
0x18: {  	s5 =	simm.s32 $_size__tile_overlayer_lowered;
	s6 =	simm.s32 $_tile_overlayer_lowered  }
0x19: {  	s23 =	simm.s32 $0x1BFF;
	s22 =	sshll.u32 s6, $0x1;
	s3 =	sadd.s32 s20, s19  }
0x1a: {  	s7 =	simm.s32 $0x0;
	s21 =	sshll.u32 s5, $0x1;
	s5 =	sadd.s32 s22, s3  }
0x1b: {  	[timem:s7], [sflag:s23] =	dma.local [hbm:s5], s21  }
0x1c: {  	_ =	swait.ge [sflag:s23], s21  }
0x1d: {  	s4 =	ssub.s32 $0x0, s21;
	[sflag:s23] =	ssyncset.done $0x0  }
0x1e: {  	[sflag:s23] =	ssyncadd.s32 s4;
	_ =	sdelay $0x1  }
0x1f: {  	s24 =	simm.s32 $0x1B8B  }
0x20: {  	_ =	swait.ge [sflag:s24], $0x1  }
0x21: {  	[sflag:s24] =	ssyncset.done $0x0  }
0x22: {  	s26 =	simm.s32 $0x1B8E;
	s25 =	sld [smem:$0x3FFE];
	[sflag:s24] =	ssyncadd.s32 $0xFFFFFFFF  }
0x23: {  	s27 =	simm.s32 $execute0_lowered;
	[smem:$0x3FD2] =	sst s26  }
0x24: {  	s5 =	sshll.u32 s27, $0x1;
	_ =	strace $0x80000050;
	[dreg:$0x1] =	wrdreg $0xFFFFFFFF  }
0x25: {  	s28 =	simm.s32 $_size_execute0_lowered;
	s3 =	sadd.s32 s3, s5;
	[dreg:$0x0] =	wrdreg $0x0  }
0x26: {  	s5 =	sshll.u32 s28, $0x1;
	[dreg:$0x2] =	wrdreg s3  }
0x27: {  	[dreg:$0x3] =	wrdreg s5  }
0x28: {  	[dreg:$0x4] =	wrdreg $0xC0  }
0x29: {  	_ =	task [dreg:s7], $0x5FFFF  }
0x2a: {  	[dreg:$0x1] =	wrdreg $0xFFFFFFFF  }
0x2b: {  	[dreg:$0x0] =	wrdreg $0x60  }
0x2c: {  	[dreg:$0x2] =	wrdreg s25  }
0x2d: {  	[dreg:$0x3] =	wrdreg s17  }
0x2e: {  	[dreg:$0x4] =	wrdreg $0x9  }
0x2f: {  	_ =	task.clear_ibuf [dreg:s7], $0x5FFFF;
	_ =	strace $0x90000050  }
0x30: {  	s29 =	simm.s32 $0x9;
	_ =	strace $0x80000052  }
0x31: {  	_ =	swait.ge [sflag:s29], $0x1  }
0x32: {  	[sflag:s29] =	ssyncadd.s32 $0xFFFFFFFF  }
0x33: {  	_ =	strace $0x90000052  }
0x34: {  	_ =	sfence  }
0x35: {  	s30 =	sld [smem:$0x0];
	_ =	sdelay $0x2  }
0x36: {  	s31 =	sshll.u32 s1, $0xD;
	s1 =	sshrl.u32 s1, $0x2  }
0x37: {  	s3 =	sand.u32 $0x4000, s31;
	s1 =	sadd.s32 s1, s30  }
0x38: {  	s0 =	sor.u32 s3, s0;
	s1 =	sshll.u32 s1, $0x11  }
0x39: {  	s0 =	sor.u32 s1, s0  }
0x3a: {  	s0 =	sadd.s32 $0x8F2B, s0  }
0x3b: {  	[sflag:s0] =	ssyncadd.remote.s32 $0x1  }
0x3c: {  	_ =	sfence.sel $0xFFFF  }
0x3d: {  	[dreg:$0x0] =	wrdreg $0xFFFFFFFF;
	(pc) =	sbr.abs _section_cstart, $3  }
0x3e: {  	[dreg:$0x1] =	wrdreg $0xFFFFFFFF  }
0x3f: {  	_ =	task.clear_ibuf [dreg:s7], $0x2FFFF;
	_ =	strace $0x9FFFFFFF  }
0x40: {  	(tm) =	ssettm $0x7FFFFFFF  }
0x41: {  	_ =	shalt  }
tec
execute0_lowered:
.L_overlay_start_1:
0x0: {  	(tag) =	ssettag $0x1  }
0x1: {  	s0 =	srdreg.scid;
	s4 =	rddreg [dreg:$0x0]  }
0x2: {  	s2 =	rddreg [dreg:$0x1];
	s31 =	simm.s32 $0x2;
	s1 =	sshll.u32 s0, $0x4  }
0x3: {  	s13 =	simm.s32 $0x0;
	s0 =	stileid.u32;
	s1 =	sand.u32 $0x10, s1  }
0x4: {  	p0 =	por $0x0, $0x0;
	s9 =	simm.s32 $0x27800;
	s3 =	sor.u32 s0, s1  }
0x5: {  	s12 =	simm.s32 $0x0;
	s11 =	simm.s32 $0x0;
	s3 =	sshrl.u32 s3, $0x1  }
.Ltmp0:
0x6: {  	s6 =	sshll.u32 s0, $0x7;
	s5 =	sshll.u32 s3, $0x4;
	(pc) =	sbr.rel .LBB1_1-.Ltmp0, $4  }
0x7: {  	s1 =	rddreg [dreg:$0x2];
	s7 =	sadd.s32 s5, s4;
	s4 =	sand.u32 $0x80, s6  }
0x8: {  	_ =	strace $0x80000051;
	s5 =	simm.s32 $0x1;
	s8 =	ssub.s32 $0x2700, s4  }
0x9: {  	[sflag:s5] =	ssyncpa.u1 $0x0;
	s7 =	sadd.s32 $0x6800, s7;
	s6 =	sshrl.u32 s8, $0x8  }
0xa: {  	s10 =	smov.u32 s4;
	[sflag:s31] =	ssyncpa.u1 $0x0;
	s8 =	sadd.s32 $0x2, s6  }
.LBB1_5:
0xb: {  	s14 =	sadd.s32 $0x100, s10  }
0xc: {  	p2 =	sgt.s32 s14, $0x270F  }
0xd: {  	s14 =	smov.u32 @p2 s4;
	p2 =	sne.s32 s11, s8  }
.Ltmp1:
0xe: {  	p1 =	slt.u32 s11, $0x2;
	(pc) =	sbr.rel @!p2 .LBB1_6-.Ltmp1, $4  }
0xf: {  	s13 =	simm.s32 @!p1 $0x2  }
0x10: {  	s15 =	sadd.s32 $0x1, s11;
	s12 =	smov.u32 s10;
	_ =	swait.ge @!p1 [sflag:s13], $0x2000  }
0x11: {  	p0 =	por !p0, !p0;
	s11 =	smov.u32 s15;
	[sflag:s13] =	ssyncset.done @!p1 $0x0  }
0x12: {  	s10 =	smov.u32 s14;
	[sflag:s13] =	ssyncadd.s32 @!p1 $0xFFFFE000;
	s13 =	smov.u32 s3  }
.LBB1_1:
0x13: {  	p1 =	sgt.u32 s11, s6  }
0x14: {  	p2 =	sgt.s32 @!p1 s10, $0x2690  }
0x15: {  	s14 =	smov.u32 s10;
	s15 =	sshra.s32 @!p1 s10, $0x1F;
	p2 =	por !p2, p1  }
0x16: {  	s15 =	sand.u32 @!p1 s15, s10;
	s14 =	simm.s32 @p2 $0x2690  }
0x17: {  	s14 =	ssub.s32 @!p1 s14, s15  }
0x18: {  	s16 =	sxor.u32 @!p1 $0xFFFFFFFF, s11;
	s14 =	sadd.s32 @!p1 $0xFFFFD970, s14  }
0x19: {  	s17 =	simm.s32 @!p1 $0x40;
	s18 =	simm.s32 @!p1 $0x800;
	s15 =	sshll.u32 @!p1 s14, $0x6  }
0x1a: {  	p2 =	sgt.s32 @!p1 s14, $0x7F;
	s14 =	ssub.s32 @!p1 $0x2000, s15;
	s15 =	sshll.u32 @!p1 s16, $0xD  }
0x1b: {  	p2 =	por !p2, p1;
	s16 =	sshll.u32 @!p1 s10, $0x8;
	s14 =	sand.u32 @!p1 $0x3FFFFFC0, s14  }
0x1c: {  	s15 =	sand.u32 @!p1 $0x2000, s15;
	s16 =	sadd.s32 @!p1 s16, s7;
	s14 =	simm.s32 @!p2 $0x0  }
0x1d: {  	[tilespmem:s15], [sflag:$0x1] =	stream.strided.gather @!p1 [hbm4b:s16+s17], s14, s18, s17, $0x38;
	[tilespmem:$0x8080] =	vst v63  }
0x1e: {  	p1 =	seq.s32 s11, $0x0  }
0x1f: {  	p2 =	sge.u32 @!p1 s11, s8  }
0x20: {  	p1 =	por p1, p2  }
.Ltmp2:
0x21: {  	_ = 	snop;
	(pc) =	sbr.rel @p1 .LBB1_5-.Ltmp2, $1  }
0x22: {  	_ =	sdelay $0x3  }
0x23: {  	p1 =	sgt.s32 s12, $0x2690;
	s14 =	smov.u32 s12;
	s15 =	sshra.s32 s12, $0x1F  }
0x24: {  	s14 =	simm.s32 @!p1 $0x2690;
	s15 =	sand.u32 s15, s12  }
0x25: {  	s14 =	ssub.s32 s14, s15  }
0x26: {  	s14 =	sadd.s32 $0xFFFFD970, s14  }
0x27: {  	s28 =	sshll.u32 s14, $0x6  }
0x28: {  	s15 =	ssub.s32 $0x2000, s28  }
0x29: {  	p1 =	sgt.s32 s14, $0x7F;
	s14 =	sand.u32 $0x3FFFFFC0, s15  }
0x2a: {  	s15 =	simm.s32 $0x1;
	s14 =	simm.s32 @p1 $0x0  }
0x2b: {  	s15 =	simm.s32 @!p0 $0x0;
	_ =	swait.ge [sflag:s5], s14  }
0x2c: {  	s16 =	sshll.u32 s15, $0xD;
	s14 =	ssub.s32 $0x0, s14;
	[sflag:s5] =	ssyncset.done $0x0  }
0x2d: {  	s18 =	sor.u32 $0x20, s16;
	[sflag:s5] =	ssyncadd.s32 s14  }
0x2e: {  	s29 =	smul.u32 $0x8100, s15;
	v3 =	vld [tilespmem:s18+$0x10]  }
0x2f: {  	s30 =	sand.u32 $0x1, s11;
	v2 =	vld [tilespmem:s18+$0xFFFFFFF0]  }
0x30: {  	s15 =	smul.u32 $0x8100, s30;
	s14 =	sshrl.u32 s29, $0x2;
	v0 =	vld [tilespmem:s18+$0x0]  }
0x31: {  	s16 =	sor.u32 $0x4000, s14;
	v1 =	vld [tilespmem:s18+$0xFFFFFFE0]  }
0x32: {  	s31 =	sshrl.u32 s15, $0x2;
	s15 =	sadd.s32 $0x0, s16  }
0x33: {  	s17 =	simm.s32 $0x4;
	s14 =	sor.u32 $0x4000, s31;
	s18 =	sadd.s32 $0x40, s18;
	[tilespmem:s15+$0x1830 ss:$0x81] =	vst.msk $0xffff, v3  }
.LBB1_3:
0x34: {  	v3 =	vld [tilespmem:s18+$0x10];
	p1 =	sne.s32 s17, $0x1FC;
	[tilespmem:s15+$0x810 ss:$0x81] =	vst.msk $0xffff, v2;
	s19 =	smov.u32 s17;
	s17 =	sadd.s32 $0x4, s17  }
.Ltmp3:
0x35: {  	v2 =	vld [tilespmem:s18+$0xFFFFFFF0];
	[tilespmem:s15+$0x1020 ss:$0x81] =	vst.msk $0xffff, v0;
	(pc) =	sbr.rel @p1 .LBB1_3-.Ltmp3, $4  }
0x36: {  	v0 =	vld [tilespmem:s18+$0x0];
	[tilespmem:s15+$0x0 ss:$0x81] =	vst.msk $0xffff, v1  }
0x37: {  	s15 =	sshra.s32 s19, $0x2;
	v1 =	vld [tilespmem:s18+$0xFFFFFFE0]  }
0x38: {  	s15 =	sadd.s32 s15, s16  }
0x39: {  	s18 =	sadd.s32 $0x40, s18;
	[tilespmem:s15+$0x1830 ss:$0x81] =	vst.msk $0xffff, v3  }
0x3a: {  	s16 =	sshrl.u32 s13, $0x3  }
0x3b: {  	s17 =	sshll.u32 s12, $0x3;
	s16 =	smul.u32 $0x13C00, s16  }
0x3c: {  	s29 =	sshll.u32 s13, $0x7;
	s17 =	sand.u32 $0xFFFFFC00, s17  }
0x3d: {  	s13 =	sand.u32 $0x380, s29;
	s16 =	sadd.s32 s17, s16  }
0x3e: {  	s30 =	sand.u32 $0x7F, s12;
	s13 =	sor.u32 s13, s16  }
0x3f: {  	s12 =	sor.u32 s30, s13  }
0x40: {  	s31 =	smulhi.u32 $0xCF6474A9, s12;
	_ =	sdelay $0x1  }
0x41: {  	s13 =	smulhi.u32 $0xCF6474A9, s13;
	s16 =	sshrl.u32 s31, $0xD  }
0x42: {  	s16 =	smul.u32 $0x2780, s16  }
0x43: {  	s13 =	sshrl.u32 s13, $0xD  }
.Ltmp4:
0x44: {  	s13 =	sand.u32 $0xF, s13;
	s12 =	ssub.s32 s12, s16;
	(pc) =	sbr.rel .LBB1_5-.Ltmp4, $4  }
0x45: {  	[tilespmem:s15+$0x810 ss:$0x81] =	vst.msk $0xffff, v2;
	s13 =	smul.u32 $0x4F0, s13;
	s16 =	sshrl.u32 s12, $0x3;
	s12 =	sand.u32 $0x7, s12  }
0x46: {  	[tilespmem:s15+$0x1020 ss:$0x81] =	vst.msk $0xffff, v0;
	s16 =	sadd.s32 s2, s16;
	s12 =	sshll.u32 s12, $0x12  }
0x47: {  	[tilespmem:s15+$0x0 ss:$0x81] =	vst.msk $0xffff, v1;
	s13 =	sadd.s32 s13, s16;
	s12 =	sor.u32 $0x80, s12  }
0x48: {  	[hbm4b:s13+s12] =	stream.strided.scatter [tilespmem:s14], [sflag:$0x2], $0x2000, s9, s12, $0x20;
	[tilespmem:$0x8080] =	vst v63  }
.LBB1_6:
0x49: {  	_ =	sfence.sel $0x180000  }
0x4a: {  	s2 =	simm.s32 $0x1;
	[bflag:$0x0] =	sbarrier.arrive $0xFFFF  }
0x4b: {  	s31 =	simm.s32 $0x2;
	[sflag:s2] =	ssyncpa.u1 $0x1  }
0x4c: {  	[sflag:s31] =	ssyncpa.u1 $0x1  }
0x4d: {  	p0 =	sne.s32 s0, $0x0;
	_ =	strace $0x90000051  }
0x4e: {  	s0 =	sadd.s32 @!p0 $0x100000, s1;
	[bflag:$0x2] =	sbarrier.arrive $0xFFFF  }
0x4f: {  	[sflag:s0] =	ssyncadd.tile.s32 @!p0 $0x1;
	_ =	shalt  }
.Lfunc_end1:
_tile_overlayer_lowered:
.L_overlay_start_2:
0x50: {  	(tag) =	ssettag $0x2  }
0x51: {  	s0 =	rddreg [dreg:$0x0];
	s2 =	stileid.u32  }
0x52: {  	s1 =	rddreg [dreg:$0x1];
	p0 =	sne.s32 s2, $0x0  }
0x53: {  	s3 =	rddreg [dreg:$0x2];
	[bflag:$0x3] =	sbarrier.arrive $0xFFFF;
	s2 =	simm.s32 @!p0 $0x1C01  }
0x54: {  	[timem:s3], [sflag:s2] =	dma.local @!p0 [hbm:s0], s1  }
0x55: {  	s0 =	simm.s32 @!p0 $0x1  }
0x56: {  	_ =	swait.ge @!p0 [sflag:s0], s1  }
0x57: {  	s1 =	ssub.s32 @!p0 $0x0, s1;
	[sflag:s0] =	ssyncset.done @!p0 $0x0  }
0x58: {  	[sflag:s0] =	ssyncadd.s32 @!p0 s1  }
0x59: {  	[bflag:$0x3] =	sbarrier.arrive $0xFFFF  }
0x5a: {  	_ =	shalt  }

</sc_bundles>
